<compile_context>
chip_gen: v7x
topology: tpu7x:2x2x1
jax: 0.10.2.dev20260603
libtpu: 0.0.44.dev20260713+nightly
codegen_flags: <defaults>
</compile_context>

<pallas_src>
import jax
import jax.numpy as jnp
from jax import lax
from jax.experimental import pallas as pl
from jax.experimental.pallas import tpu as pltpu
from jax.experimental.pallas import tpu_sc as plsc

N_EMBED = 8192
EMBED_DIM = 256
COMMITMENT = 0.25
N_TILE = 512

NC, NS, L = 2, 16, 16
NW = NC * NS
B_PER_W = N_EMBED // NW
CHUNK = 128
BINS_PER_S = N_EMBED // NS



def _dist_argmin_body(x_ref, e_ref, idx_ref, et_ref, se_ref):
    m = pl.program_id(0)
    x = x_ref[...]
    e = e_ref[...]
    et_ref[...] = e_ref[:, pl.ds(m * M_TILE, M_TILE)].T

    @pl.when(m == 0)
    def _se():
        se_ref[...] = jnp.sum(e * e, axis=0, keepdims=True)

    sx = jnp.sum(x * x, axis=1, keepdims=True)
    se = se_ref[...]
    mm2 = jnp.dot(x * 2.0, e, preferred_element_type=jnp.float32)
    dist = sx - mm2 + se
    tmin = jnp.min(dist, axis=1, keepdims=True)
    cols = jax.lax.broadcasted_iota(jnp.int32, (1, N_EMBED), 1).astype(jnp.float32)
    targ = jnp.min(jnp.where(dist == tmin, cols, jnp.float32(1e9)),
                   axis=1, keepdims=True)
    idx_ref[...] = targ.astype(jnp.int32).T.reshape(1, 1, M_TILE)


M_TILE = 512


def _dist_argmin(flat, embed):
    t = flat.shape[0]
    grid = t // M_TILE
    return pl.pallas_call(
        _dist_argmin_body,
        grid=(grid,),
        in_specs=[
            pl.BlockSpec((M_TILE, EMBED_DIM), lambda m: (m, 0)),
            pl.BlockSpec((EMBED_DIM, N_EMBED), lambda m: (0, 0)),
        ],
        out_specs=[
            pl.BlockSpec((1, 1, M_TILE), lambda m: (m, 0, 0)),
            pl.BlockSpec((M_TILE, EMBED_DIM), lambda m: (m, 0)),
        ],
        out_shape=[
            jax.ShapeDtypeStruct((t // M_TILE, 1, M_TILE), jnp.int32),
            jax.ShapeDtypeStruct((N_EMBED, EMBED_DIM), jnp.float32),
        ],
        scratch_shapes=[
            pltpu.VMEM((1, N_EMBED), jnp.float32),
        ],
    )(flat, embed)



def _sc_gather_hist(embed_t, idx64):
    mesh = plsc.VectorSubcoreMesh(core_axis_name="c", subcore_axis_name="s")

    def body(et_hbm, idx_hbm, quant_hbm, hist_hbm,
             idx_v, rows_v, ones_v, zero_v, hist_sh, sem):
        cid = lax.axis_index("c")
        sid = lax.axis_index("s")
        wid = sid * NC + cid

        pltpu.sync_copy(idx_hbm.at[wid // 2, 0, pl.ds((wid % 2) * 256, CHUNK)],
                        idx_v.at[0])
        pltpu.sync_copy(idx_hbm.at[wid // 2, 0, pl.ds((wid % 2) * 256 + CHUNK, CHUNK)],
                        idx_v.at[1])

        for i in range(BINS_PER_S // L):
            zero_v[pl.ds(i * L, L)] = jnp.zeros((L,), jnp.float32)
        pltpu.sync_copy(zero_v, hist_sh.at[pl.ds(sid * BINS_PER_S, BINS_PER_S)])

        cp0 = pltpu.async_copy(et_hbm.at[idx_v.at[0]], rows_v.at[0], sem)
        cp1 = pltpu.async_copy(et_hbm.at[idx_v.at[1]], rows_v.at[1], sem)
        cp0.wait()
        cp1.wait()
        pltpu.sync_copy(rows_v, quant_hbm.at[pl.ds(2 * wid, 2)])

        for i in range(CHUNK // L):
            ones_v[pl.ds(i * L, L)] = jnp.full((L,), 1.0, jnp.float32)

        plsc.subcore_barrier()
        pltpu.sync_copy(ones_v, hist_sh.at[idx_v.at[0]], add=True)
        pltpu.sync_copy(ones_v, hist_sh.at[idx_v.at[1]], add=True)
        plsc.subcore_barrier()

        pltpu.sync_copy(hist_sh.at[pl.ds(sid * BINS_PER_S, BINS_PER_S)],
                        hist_hbm.at[cid, sid])

    f = pl.kernel(
        body,
        mesh=mesh,
        out_type=[
            jax.ShapeDtypeStruct((NW * 2, CHUNK, EMBED_DIM), jnp.float32),
            jax.ShapeDtypeStruct((NC, NS, BINS_PER_S), jnp.float32),
        ],
        scratch_types=[
            pltpu.VMEM((2, CHUNK), jnp.int32),
            pltpu.VMEM((2, CHUNK, EMBED_DIM), jnp.float32),
            pltpu.VMEM((CHUNK,), jnp.float32),
            pltpu.VMEM((BINS_PER_S,), jnp.float32),
            pltpu.VMEM_SHARED((N_EMBED,), jnp.float32),
            pltpu.SemaphoreType.DMA,
        ],
    )
    return f(embed_t, idx64)



def _loss_body(hist_ref, lik_ref, loss_ref):
    h = hist_ref[...]
    counts = h[0] + h[1]
    lik = counts * (1.0 / N_EMBED)
    lik_ref[...] = lik
    log_lik = jnp.log(lik + 1e-10)
    log_u = jnp.log(jnp.float32(1.0 / N_EMBED))
    s = jnp.sum((1.0 / N_EMBED) * (log_u - log_lik))
    loss_ref[...] = jnp.reshape(s / N_EMBED * COMMITMENT, (1, 1))


def _loss_tc(hist_part):
    return pl.pallas_call(
        _loss_body,
        out_shape=[
            jax.ShapeDtypeStruct((NS, BINS_PER_S), jnp.float32),
            jax.ShapeDtypeStruct((1, 1), jnp.float32),
        ],
    )(hist_part)


def kernel(x, embed):
    flat = x.reshape(-1, EMBED_DIM)
    idx2d, embed_t = _dist_argmin(flat, embed)
    quant64, hist_part = _sc_gather_hist(embed_t, idx2d)
    quantize = quant64.reshape(x.shape)
    lik2, loss11 = _loss_tc(hist_part)
    likelihoods = lik2.reshape(-1)
    quant_loss = loss11.reshape(())
    sigma = jnp.array(1e10, dtype=jnp.float32)
    return (quantize, quant_loss, embed_t, likelihoods, sigma)

# --- scband reference (transcript-rebuilt; emitter-appended) ---
"""Pipeline reference for scband-soft-hard-quantize-71760313582210 (READ-ONLY COPY).

The authoritative reference and input builder live on the scoring server;
editing this copy changes nothing except your own understanding.
"""

import jax, jax.numpy as jnp
import numpy as np

N_EMBED = 8192
EMBED_DIM = 256
COMMITMENT = 0.25


def setup_inputs(seed: int = 0) -> dict:
    key = jax.random.key(seed)
    k1, k2 = jax.random.split(key)
    x = jax.random.normal(k1, (8, 1024, EMBED_DIM), dtype=jnp.float32)
    embed = jax.random.normal(k2, (EMBED_DIM, N_EMBED), dtype=jnp.float32)
    return {"x": x, "embed": embed}


def reference(x, embed):
    # eval-mode sigma (module not in training mode)
    sigma = 1e10
    B = x.shape[0]
    x = x.reshape(B, -1, EMBED_DIM)
    flatten = x.reshape(-1, EMBED_DIM)
    dist = (flatten ** 2).sum(axis=1, keepdims=True) - 2.0 * flatten @ embed + (embed ** 2).sum(axis=0, keepdims=True)
    soft_assign = jax.nn.softmax(-sigma * dist, axis=1)
    likelihoods = jnp.mean(soft_assign, axis=0)
    embed_ind = jnp.argmax(soft_assign, axis=1)
    embed_ind = embed_ind.reshape(x.shape[:-1])
    quantize = jnp.take(embed.T, embed_ind, axis=0)
    soft_out = (soft_assign @ embed.T).reshape(x.shape)
    quantize = soft_out + jax.lax.stop_gradient(quantize - soft_out)
    uniform_prob = jnp.ones_like(likelihoods) / N_EMBED
    log_lik = jnp.log(jax.lax.stop_gradient(likelihoods) + 1e-10)
    # F.kl_div(input=log_lik, target=uniform, reduction='batchmean') on 1D tensor of size N_EMBED
    quant_loss = jnp.sum(uniform_prob * (jnp.log(uniform_prob) - log_lik)) / N_EMBED * COMMITMENT
    return (quantize, quant_loss, embed.T, likelihoods, jnp.array(sigma, dtype=jnp.float32))

if __name__ == "__main__":
    import jax
    _d = setup_inputs()
    print(jax.jit(kernel)(*tuple(_d.values())))

</pallas_src>

<mosaic_0001>
#map = affine_map<(d0, d1) -> (0, 0)>
#map1 = affine_map<(d0, d1) -> (0, 0, 0)>
module attributes {stable_mosaic.version = 14 : i64} {
  func.func @body(%arg0: i32, %arg1: i32, %arg2: memref<8192x256xf32, #tpu.memory_space<hbm>>, %arg3: memref<16x1x512xi32, #tpu.memory_space<hbm>>, %arg4: memref<64x128x256xf32, #tpu.memory_space<hbm>>, %arg5: memref<2x16x512xf32, #tpu.memory_space<hbm>>, %arg6: memref<2x128xi32, #tpu.memory_space<vmem>>, %arg7: memref<2x128x256xf32, #tpu.memory_space<vmem>>, %arg8: memref<128xf32, #tpu.memory_space<vmem>>, %arg9: memref<512xf32, #tpu.memory_space<vmem>>, %arg10: memref<8192xf32, #tpu.memory_space<vmem_shared>>, %arg11: memref<!tpu.dma_semaphore, #tpu.memory_space<semaphore_mem>>) attributes {dimension_semantics = [#tpu.dimension_semantics<core_parallel>, #tpu.dimension_semantics<subcore_parallel>], iteration_bounds = array<i64: 2, 16>, scalar_prefetch = 0 : i64, scratch_operands = 6 : i64, tpu.core_type = #tpu.core_type<sc_vector_subcore>, window_params = [{transform_indices = #map}, {transform_indices = #map1}, {transform_indices = #map1}, {transform_indices = #map1}]} {
    %mul3A = arith.constant 2 : i32
    %mul3A_0 = arith.muli %arg1, %mul3A : i32
    %add3A = arith.addi %mul3A_0, %arg0 : i32
    %jit3A = arith.constant 2 : i32
    %div3A = arith.divsi %add3A, %jit3A : i32
    %sign3A = arith.constant 0 : i32
    %sign3A_1 = arith.cmpi sgt, %add3A, %sign3A : i32
    %sign3A_2 = arith.extui %sign3A_1 : i1 to i32
    %sign3A_3 = arith.constant 0 : i32
    %sign3A_4 = arith.cmpi slt, %add3A, %sign3A_3 : i32
    %sign3A_5 = arith.extui %sign3A_4 : i1 to i32
    %sign3A_6 = arith.subi %sign3A_2, %sign3A_5 : i32
    %sign3A_7 = arith.constant 0 : i32
    %sign3A_8 = arith.cmpi sgt, %jit3A, %sign3A_7 : i32
    %sign3A_9 = arith.extui %sign3A_8 : i1 to i32
    %sign3A_10 = arith.constant 0 : i32
    %sign3A_11 = arith.cmpi slt, %jit3A, %sign3A_10 : i32
    %sign3A_12 = arith.extui %sign3A_11 : i1 to i32
    %sign3A_13 = arith.subi %sign3A_9, %sign3A_12 : i32
    %ne3A = arith.cmpi ne, %sign3A_6, %sign3A_13 : i32
    %rem3A = arith.remsi %add3A, %jit3A : i32
    %ne3A_14 = arith.constant 0 : i32
    %ne3A_15 = arith.cmpi ne, %rem3A, %ne3A_14 : i32
    %and3A = arith.andi %ne3A, %ne3A_15 : i1
    %sub3A = arith.constant 1 : i32
    %sub3A_16 = arith.subi %div3A, %sub3A : i32
    %select_n3A = arith.select %and3A, %sub3A_16, %div3A : i32
    %jit3A_17 = arith.constant 2 : i32
    %eq3A = arith.constant 0 : i32
    %eq3A_18 = arith.cmpi eq, %jit3A_17, %eq3A : i32
    %jit3A_19 = arith.constant 1 : i32
    %select_n3A_20 = arith.select %eq3A_18, %jit3A_19, %jit3A_17 : i32
    %rem3A_21 = arith.remsi %add3A, %select_n3A_20 : i32
    %ne3A_22 = arith.constant 0 : i32
    %ne3A_23 = arith.cmpi ne, %rem3A_21, %ne3A_22 : i32
    %lt3A = arith.constant 0 : i32
    %lt3A_24 = arith.cmpi slt, %rem3A_21, %lt3A : i32
    %lt3A_25 = arith.constant 0 : i32
    %lt3A_26 = arith.cmpi slt, %select_n3A_20, %lt3A_25 : i32
    %ne3A_27 = arith.xori %lt3A_24, %lt3A_26 : i1
    %and3A_28 = arith.andi %ne3A_27, %ne3A_23 : i1
    %add3A_29 = arith.addi %rem3A_21, %select_n3A_20 : i32
    %select_n3A_30 = arith.select %and3A_28, %add3A_29, %rem3A_21 : i32
    %mul3A_31 = arith.constant 256 : i32
    %mul3A_32 = arith.muli %select_n3A_30, %mul3A_31 : i32
    %run_scoped3A = arith.constant 0 : i32
    %run_scoped3A_33 = arith.constant 0 : i32
    "tpu.region"() ({
      %run_scoped3A_373 = tpu.sem_alloc : memref<!tpu.dma_semaphore, #tpu.memory_space<semaphore_mem>>
      %dma_start3A_374 = arith.constant 0 : i32
      %dma_start3A_375 = tpu.memref_slice %arg6[%run_scoped3A_33, %dma_start3A_374] : memref<2x128xi32, #tpu.memory_space<vmem>> -> memref<1x128xi32, #tpu.memory_space<vmem>>
      %dma_start3A_376 = tpu.memref_squeeze %dma_start3A_375 : memref<1x128xi32, #tpu.memory_space<vmem>> -> memref<128xi32, #tpu.memory_space<vmem>>
      %dma_start3A_377 = tpu.memref_slice %arg3[%select_n3A, %run_scoped3A, %mul3A_32] : memref<16x1x512xi32, #tpu.memory_space<hbm>> -> memref<1x1x128xi32, #tpu.memory_space<hbm>>
      %dma_start3A_378 = tpu.memref_squeeze %dma_start3A_377 : memref<1x1x128xi32, #tpu.memory_space<hbm>> -> memref<128xi32, #tpu.memory_space<hbm>>
      %dma_start3A_379 = arith.constant 0 : i32
      %dma_start3A_380 = tpu.memref_slice %arg6[%run_scoped3A_33, %dma_start3A_379] : memref<2x128xi32, #tpu.memory_space<vmem>> -> memref<1x128xi32, #tpu.memory_space<vmem>>
      %dma_start3A_381 = tpu.memref_squeeze %dma_start3A_380 : memref<1x128xi32, #tpu.memory_space<vmem>> -> memref<128xi32, #tpu.memory_space<vmem>>
      %dma_start3A_382 = tpu.memref_slice %arg3[%select_n3A, %run_scoped3A, %mul3A_32] : memref<16x1x512xi32, #tpu.memory_space<hbm>> -> memref<1x1x128xi32, #tpu.memory_space<hbm>>
      %dma_start3A_383 = tpu.memref_squeeze %dma_start3A_382 : memref<1x1x128xi32, #tpu.memory_space<hbm>> -> memref<128xi32, #tpu.memory_space<hbm>>
      tpu.enqueue_dma source(%dma_start3A_383 : memref<128xi32, #tpu.memory_space<hbm>>) target(%dma_start3A_381 : memref<128xi32, #tpu.memory_space<vmem>>) target_semaphore(%run_scoped3A_373 : memref<!tpu.dma_semaphore, #tpu.memory_space<semaphore_mem>>)
      %dma_wait3A_384 = arith.constant 0 : i32
      %dma_wait3A_385 = tpu.memref_slice %arg6[%run_scoped3A_33, %dma_wait3A_384] : memref<2x128xi32, #tpu.memory_space<vmem>> -> memref<1x128xi32, #tpu.memory_space<vmem>>
      %dma_wait3A_386 = tpu.memref_squeeze %dma_wait3A_385 : memref<1x128xi32, #tpu.memory_space<vmem>> -> memref<128xi32, #tpu.memory_space<vmem>>
      %dma_wait3A_387 = tpu.memref_slice %arg3[%select_n3A, %run_scoped3A, %mul3A_32] : memref<16x1x512xi32, #tpu.memory_space<hbm>> -> memref<1x1x128xi32, #tpu.memory_space<hbm>>
      %dma_wait3A_388 = tpu.memref_squeeze %dma_wait3A_387 : memref<1x1x128xi32, #tpu.memory_space<hbm>> -> memref<128xi32, #tpu.memory_space<hbm>>
      %dma_wait3A_389 = arith.constant 0 : i32
      %dma_wait3A_390 = tpu.memref_slice %arg6[%run_scoped3A_33, %dma_wait3A_389] : memref<2x128xi32, #tpu.memory_space<vmem>> -> memref<1x128xi32, #tpu.memory_space<vmem>>
      %dma_wait3A_391 = tpu.memref_squeeze %dma_wait3A_390 : memref<1x128xi32, #tpu.memory_space<vmem>> -> memref<128xi32, #tpu.memory_space<vmem>>
      %dma_wait3A_392 = tpu.memref_slice %arg3[%select_n3A, %run_scoped3A, %mul3A_32] : memref<16x1x512xi32, #tpu.memory_space<hbm>> -> memref<1x1x128xi32, #tpu.memory_space<hbm>>
      %dma_wait3A_393 = tpu.memref_squeeze %dma_wait3A_392 : memref<1x1x128xi32, #tpu.memory_space<hbm>> -> memref<128xi32, #tpu.memory_space<hbm>>
      tpu.wait_dma2 semaphore(%run_scoped3A_373 : memref<!tpu.dma_semaphore, #tpu.memory_space<semaphore_mem>>) src(%dma_wait3A_393 : memref<128xi32, #tpu.memory_space<hbm>>) dst(%dma_wait3A_391 : memref<128xi32, #tpu.memory_space<vmem>>)
      tpu.yield
    }) : () -> ()
    %jit3A_34 = arith.constant 2 : i32
    %div3A_35 = arith.divsi %add3A, %jit3A_34 : i32
    %sign3A_36 = arith.constant 0 : i32
    %sign3A_37 = arith.cmpi sgt, %add3A, %sign3A_36 : i32
    %sign3A_38 = arith.extui %sign3A_37 : i1 to i32
    %sign3A_39 = arith.constant 0 : i32
    %sign3A_40 = arith.cmpi slt, %add3A, %sign3A_39 : i32
    %sign3A_41 = arith.extui %sign3A_40 : i1 to i32
    %sign3A_42 = arith.subi %sign3A_38, %sign3A_41 : i32
    %sign3A_43 = arith.constant 0 : i32
    %sign3A_44 = arith.cmpi sgt, %jit3A_34, %sign3A_43 : i32
    %sign3A_45 = arith.extui %sign3A_44 : i1 to i32
    %sign3A_46 = arith.constant 0 : i32
    %sign3A_47 = arith.cmpi slt, %jit3A_34, %sign3A_46 : i32
    %sign3A_48 = arith.extui %sign3A_47 : i1 to i32
    %sign3A_49 = arith.subi %sign3A_45, %sign3A_48 : i32
    %ne3A_50 = arith.cmpi ne, %sign3A_42, %sign3A_49 : i32
    %rem3A_51 = arith.remsi %add3A, %jit3A_34 : i32
    %ne3A_52 = arith.constant 0 : i32
    %ne3A_53 = arith.cmpi ne, %rem3A_51, %ne3A_52 : i32
    %and3A_54 = arith.andi %ne3A_50, %ne3A_53 : i1
    %sub3A_55 = arith.constant 1 : i32
    %sub3A_56 = arith.subi %div3A_35, %sub3A_55 : i32
    %select_n3A_57 = arith.select %and3A_54, %sub3A_56, %div3A_35 : i32
    %jit3A_58 = arith.constant 2 : i32
    %eq3A_59 = arith.constant 0 : i32
    %eq3A_60 = arith.cmpi eq, %jit3A_58, %eq3A_59 : i32
    %jit3A_61 = arith.constant 1 : i32
    %select_n3A_62 = arith.select %eq3A_60, %jit3A_61, %jit3A_58 : i32
    %rem3A_63 = arith.remsi %add3A, %select_n3A_62 : i32
    %ne3A_64 = arith.constant 0 : i32
    %ne3A_65 = arith.cmpi ne, %rem3A_63, %ne3A_64 : i32
    %lt3A_66 = arith.constant 0 : i32
    %lt3A_67 = arith.cmpi slt, %rem3A_63, %lt3A_66 : i32
    %lt3A_68 = arith.constant 0 : i32
    %lt3A_69 = arith.cmpi slt, %select_n3A_62, %lt3A_68 : i32
    %ne3A_70 = arith.xori %lt3A_67, %lt3A_69 : i1
    %and3A_71 = arith.andi %ne3A_70, %ne3A_65 : i1
    %add3A_72 = arith.addi %rem3A_63, %select_n3A_62 : i32
    %select_n3A_73 = arith.select %and3A_71, %add3A_72, %rem3A_63 : i32
    %mul3A_74 = arith.constant 256 : i32
    %mul3A_75 = arith.muli %select_n3A_73, %mul3A_74 : i32
    %add3A_76 = arith.constant 128 : i32
    %add3A_77 = arith.addi %mul3A_75, %add3A_76 : i32
    %run_scoped3A_78 = arith.constant 0 : i32
    %run_scoped3A_79 = arith.constant 1 : i32
    "tpu.region"() ({
      %run_scoped3A_373 = tpu.sem_alloc : memref<!tpu.dma_semaphore, #tpu.memory_space<semaphore_mem>>
      %dma_start3A_374 = arith.constant 0 : i32
      %dma_start3A_375 = tpu.memref_slice %arg6[%run_scoped3A_79, %dma_start3A_374] : memref<2x128xi32, #tpu.memory_space<vmem>> -> memref<1x128xi32, #tpu.memory_space<vmem>>
      %dma_start3A_376 = tpu.memref_squeeze %dma_start3A_375 : memref<1x128xi32, #tpu.memory_space<vmem>> -> memref<128xi32, #tpu.memory_space<vmem>>
      %dma_start3A_377 = tpu.memref_slice %arg3[%select_n3A_57, %run_scoped3A_78, %add3A_77] : memref<16x1x512xi32, #tpu.memory_space<hbm>> -> memref<1x1x128xi32, #tpu.memory_space<hbm>>
      %dma_start3A_378 = tpu.memref_squeeze %dma_start3A_377 : memref<1x1x128xi32, #tpu.memory_space<hbm>> -> memref<128xi32, #tpu.memory_space<hbm>>
      %dma_start3A_379 = arith.constant 0 : i32
      %dma_start3A_380 = tpu.memref_slice %arg6[%run_scoped3A_79, %dma_start3A_379] : memref<2x128xi32, #tpu.memory_space<vmem>> -> memref<1x128xi32, #tpu.memory_space<vmem>>
      %dma_start3A_381 = tpu.memref_squeeze %dma_start3A_380 : memref<1x128xi32, #tpu.memory_space<vmem>> -> memref<128xi32, #tpu.memory_space<vmem>>
      %dma_start3A_382 = tpu.memref_slice %arg3[%select_n3A_57, %run_scoped3A_78, %add3A_77] : memref<16x1x512xi32, #tpu.memory_space<hbm>> -> memref<1x1x128xi32, #tpu.memory_space<hbm>>
      %dma_start3A_383 = tpu.memref_squeeze %dma_start3A_382 : memref<1x1x128xi32, #tpu.memory_space<hbm>> -> memref<128xi32, #tpu.memory_space<hbm>>
      tpu.enqueue_dma source(%dma_start3A_383 : memref<128xi32, #tpu.memory_space<hbm>>) target(%dma_start3A_381 : memref<128xi32, #tpu.memory_space<vmem>>) target_semaphore(%run_scoped3A_373 : memref<!tpu.dma_semaphore, #tpu.memory_space<semaphore_mem>>)
      %dma_wait3A_384 = arith.constant 0 : i32
      %dma_wait3A_385 = tpu.memref_slice %arg6[%run_scoped3A_79, %dma_wait3A_384] : memref<2x128xi32, #tpu.memory_space<vmem>> -> memref<1x128xi32, #tpu.memory_space<vmem>>
      %dma_wait3A_386 = tpu.memref_squeeze %dma_wait3A_385 : memref<1x128xi32, #tpu.memory_space<vmem>> -> memref<128xi32, #tpu.memory_space<vmem>>
      %dma_wait3A_387 = tpu.memref_slice %arg3[%select_n3A_57, %run_scoped3A_78, %add3A_77] : memref<16x1x512xi32, #tpu.memory_space<hbm>> -> memref<1x1x128xi32, #tpu.memory_space<hbm>>
      %dma_wait3A_388 = tpu.memref_squeeze %dma_wait3A_387 : memref<1x1x128xi32, #tpu.memory_space<hbm>> -> memref<128xi32, #tpu.memory_space<hbm>>
      %dma_wait3A_389 = arith.constant 0 : i32
      %dma_wait3A_390 = tpu.memref_slice %arg6[%run_scoped3A_79, %dma_wait3A_389] : memref<2x128xi32, #tpu.memory_space<vmem>> -> memref<1x128xi32, #tpu.memory_space<vmem>>
      %dma_wait3A_391 = tpu.memref_squeeze %dma_wait3A_390 : memref<1x128xi32, #tpu.memory_space<vmem>> -> memref<128xi32, #tpu.memory_space<vmem>>
      %dma_wait3A_392 = tpu.memref_slice %arg3[%select_n3A_57, %run_scoped3A_78, %add3A_77] : memref<16x1x512xi32, #tpu.memory_space<hbm>> -> memref<1x1x128xi32, #tpu.memory_space<hbm>>
      %dma_wait3A_393 = tpu.memref_squeeze %dma_wait3A_392 : memref<1x1x128xi32, #tpu.memory_space<hbm>> -> memref<128xi32, #tpu.memory_space<hbm>>
      tpu.wait_dma2 semaphore(%run_scoped3A_373 : memref<!tpu.dma_semaphore, #tpu.memory_space<semaphore_mem>>) src(%dma_wait3A_393 : memref<128xi32, #tpu.memory_space<hbm>>) dst(%dma_wait3A_391 : memref<128xi32, #tpu.memory_space<vmem>>)
      tpu.yield
    }) : () -> ()
    %broadcast_in_dim3A = arith.constant 0.000000e+00 : f32
    %broadcast_in_dim3A_80 = vector.broadcast %broadcast_in_dim3A : f32 to vector<16xf32>
    %swap3A = arith.constant 0 : index
    %swap3A_81 = tpu.vector_load %arg9[%swap3A] {strides = array<i32>} : memref<512xf32, #tpu.memory_space<vmem>>, vector<16xf32>,
    %swap3A_82 = vector.shape_cast %swap3A_81 : vector<16xf32> to vector<16xf32>
    %swap3A_83 = vector.shape_cast %broadcast_in_dim3A_80 : vector<16xf32> to vector<16xf32>
    tpu.vector_store %arg9[%swap3A], %swap3A_83 {strides = array<i32>} : memref<512xf32, #tpu.memory_space<vmem>>, vector<16xf32>,
    %broadcast_in_dim3A_84 = arith.constant 0.000000e+00 : f32
    %broadcast_in_dim3A_85 = vector.broadcast %broadcast_in_dim3A_84 : f32 to vector<16xf32>
    %swap3A_86 = arith.constant 16 : index
    %swap3A_87 = tpu.vector_load %arg9[%swap3A_86] {strides = array<i32>} : memref<512xf32, #tpu.memory_space<vmem>>, vector<16xf32>,
    %swap3A_88 = vector.shape_cast %swap3A_87 : vector<16xf32> to vector<16xf32>
    %swap3A_89 = vector.shape_cast %broadcast_in_dim3A_85 : vector<16xf32> to vector<16xf32>
    tpu.vector_store %arg9[%swap3A_86], %swap3A_89 {strides = array<i32>} : memref<512xf32, #tpu.memory_space<vmem>>, vector<16xf32>,
    %broadcast_in_dim3A_90 = arith.constant 0.000000e+00 : f32
    %broadcast_in_dim3A_91 = vector.broadcast %broadcast_in_dim3A_90 : f32 to vector<16xf32>
    %swap3A_92 = arith.constant 32 : index
    %swap3A_93 = tpu.vector_load %arg9[%swap3A_92] {strides = array<i32>} : memref<512xf32, #tpu.memory_space<vmem>>, vector<16xf32>,
    %swap3A_94 = vector.shape_cast %swap3A_93 : vector<16xf32> to vector<16xf32>
    %swap3A_95 = vector.shape_cast %broadcast_in_dim3A_91 : vector<16xf32> to vector<16xf32>
    tpu.vector_store %arg9[%swap3A_92], %swap3A_95 {strides = array<i32>} : memref<512xf32, #tpu.memory_space<vmem>>, vector<16xf32>,
    %broadcast_in_dim3A_96 = arith.constant 0.000000e+00 : f32
    %broadcast_in_dim3A_97 = vector.broadcast %broadcast_in_dim3A_96 : f32 to vector<16xf32>
    %swap3A_98 = arith.constant 48 : index
    %swap3A_99 = tpu.vector_load %arg9[%swap3A_98] {strides = array<i32>} : memref<512xf32, #tpu.memory_space<vmem>>, vector<16xf32>,
    %swap3A_100 = vector.shape_cast %swap3A_99 : vector<16xf32> to vector<16xf32>
    %swap3A_101 = vector.shape_cast %broadcast_in_dim3A_97 : vector<16xf32> to vector<16xf32>
    tpu.vector_store %arg9[%swap3A_98], %swap3A_101 {strides = array<i32>} : memref<512xf32, #tpu.memory_space<vmem>>, vector<16xf32>,
    %broadcast_in_dim3A_102 = arith.constant 0.000000e+00 : f32
    %broadcast_in_dim3A_103 = vector.broadcast %broadcast_in_dim3A_102 : f32 to vector<16xf32>
    %swap3A_104 = arith.constant 64 : index
    %swap3A_105 = tpu.vector_load %arg9[%swap3A_104] {strides = array<i32>} : memref<512xf32, #tpu.memory_space<vmem>>, vector<16xf32>,
    %swap3A_106 = vector.shape_cast %swap3A_105 : vector<16xf32> to vector<16xf32>
    %swap3A_107 = vector.shape_cast %broadcast_in_dim3A_103 : vector<16xf32> to vector<16xf32>
    tpu.vector_store %arg9[%swap3A_104], %swap3A_107 {strides = array<i32>} : memref<512xf32, #tpu.memory_space<vmem>>, vector<16xf32>,
    %broadcast_in_dim3A_108 = arith.constant 0.000000e+00 : f32
    %broadcast_in_dim3A_109 = vector.broadcast %broadcast_in_dim3A_108 : f32 to vector<16xf32>
    %swap3A_110 = arith.constant 80 : index
    %swap3A_111 = tpu.vector_load %arg9[%swap3A_110] {strides = array<i32>} : memref<512xf32, #tpu.memory_space<vmem>>, vector<16xf32>,
    %swap3A_112 = vector.shape_cast %swap3A_111 : vector<16xf32> to vector<16xf32>
    %swap3A_113 = vector.shape_cast %broadcast_in_dim3A_109 : vector<16xf32> to vector<16xf32>
    tpu.vector_store %arg9[%swap3A_110], %swap3A_113 {strides = array<i32>} : memref<512xf32, #tpu.memory_space<vmem>>, vector<16xf32>,
    %broadcast_in_dim3A_114 = arith.constant 0.000000e+00 : f32
    %broadcast_in_dim3A_115 = vector.broadcast %broadcast_in_dim3A_114 : f32 to vector<16xf32>
    %swap3A_116 = arith.constant 96 : index
    %swap3A_117 = tpu.vector_load %arg9[%swap3A_116] {strides = array<i32>} : memref<512xf32, #tpu.memory_space<vmem>>, vector<16xf32>,
    %swap3A_118 = vector.shape_cast %swap3A_117 : vector<16xf32> to vector<16xf32>
    %swap3A_119 = vector.shape_cast %broadcast_in_dim3A_115 : vector<16xf32> to vector<16xf32>
    tpu.vector_store %arg9[%swap3A_116], %swap3A_119 {strides = array<i32>} : memref<512xf32, #tpu.memory_space<vmem>>, vector<16xf32>,
    %broadcast_in_dim3A_120 = arith.constant 0.000000e+00 : f32
    %broadcast_in_dim3A_121 = vector.broadcast %broadcast_in_dim3A_120 : f32 to vector<16xf32>
    %swap3A_122 = arith.constant 112 : index
    %swap3A_123 = tpu.vector_load %arg9[%swap3A_122] {strides = array<i32>} : memref<512xf32, #tpu.memory_space<vmem>>, vector<16xf32>,
    %swap3A_124 = vector.shape_cast %swap3A_123 : vector<16xf32> to vector<16xf32>
    %swap3A_125 = vector.shape_cast %broadcast_in_dim3A_121 : vector<16xf32> to vector<16xf32>
    tpu.vector_store %arg9[%swap3A_122], %swap3A_125 {strides = array<i32>} : memref<512xf32, #tpu.memory_space<vmem>>, vector<16xf32>,
    %broadcast_in_dim3A_126 = arith.constant 0.000000e+00 : f32
    %broadcast_in_dim3A_127 = vector.broadcast %broadcast_in_dim3A_126 : f32 to vector<16xf32>
    %swap3A_128 = arith.constant 128 : index
    %swap3A_129 = tpu.vector_load %arg9[%swap3A_128] {strides = array<i32>} : memref<512xf32, #tpu.memory_space<vmem>>, vector<16xf32>,
    %swap3A_130 = vector.shape_cast %swap3A_129 : vector<16xf32> to vector<16xf32>
    %swap3A_131 = vector.shape_cast %broadcast_in_dim3A_127 : vector<16xf32> to vector<16xf32>
    tpu.vector_store %arg9[%swap3A_128], %swap3A_131 {strides = array<i32>} : memref<512xf32, #tpu.memory_space<vmem>>, vector<16xf32>,
    %broadcast_in_dim3A_132 = arith.constant 0.000000e+00 : f32
    %broadcast_in_dim3A_133 = vector.broadcast %broadcast_in_dim3A_132 : f32 to vector<16xf32>
    %swap3A_134 = arith.constant 144 : index
    %swap3A_135 = tpu.vector_load %arg9[%swap3A_134] {strides = array<i32>} : memref<512xf32, #tpu.memory_space<vmem>>, vector<16xf32>,
    %swap3A_136 = vector.shape_cast %swap3A_135 : vector<16xf32> to vector<16xf32>
    %swap3A_137 = vector.shape_cast %broadcast_in_dim3A_133 : vector<16xf32> to vector<16xf32>
    tpu.vector_store %arg9[%swap3A_134], %swap3A_137 {strides = array<i32>} : memref<512xf32, #tpu.memory_space<vmem>>, vector<16xf32>,
    %broadcast_in_dim3A_138 = arith.constant 0.000000e+00 : f32
    %broadcast_in_dim3A_139 = vector.broadcast %broadcast_in_dim3A_138 : f32 to vector<16xf32>
    %swap3A_140 = arith.constant 160 : index
    %swap3A_141 = tpu.vector_load %arg9[%swap3A_140] {strides = array<i32>} : memref<512xf32, #tpu.memory_space<vmem>>, vector<16xf32>,
    %swap3A_142 = vector.shape_cast %swap3A_141 : vector<16xf32> to vector<16xf32>
    %swap3A_143 = vector.shape_cast %broadcast_in_dim3A_139 : vector<16xf32> to vector<16xf32>
    tpu.vector_store %arg9[%swap3A_140], %swap3A_143 {strides = array<i32>} : memref<512xf32, #tpu.memory_space<vmem>>, vector<16xf32>,
    %broadcast_in_dim3A_144 = arith.constant 0.000000e+00 : f32
    %broadcast_in_dim3A_145 = vector.broadcast %broadcast_in_dim3A_144 : f32 to vector<16xf32>
    %swap3A_146 = arith.constant 176 : index
    %swap3A_147 = tpu.vector_load %arg9[%swap3A_146] {strides = array<i32>} : memref<512xf32, #tpu.memory_space<vmem>>, vector<16xf32>,
    %swap3A_148 = vector.shape_cast %swap3A_147 : vector<16xf32> to vector<16xf32>
    %swap3A_149 = vector.shape_cast %broadcast_in_dim3A_145 : vector<16xf32> to vector<16xf32>
    tpu.vector_store %arg9[%swap3A_146], %swap3A_149 {strides = array<i32>} : memref<512xf32, #tpu.memory_space<vmem>>, vector<16xf32>,
    %broadcast_in_dim3A_150 = arith.constant 0.000000e+00 : f32
    %broadcast_in_dim3A_151 = vector.broadcast %broadcast_in_dim3A_150 : f32 to vector<16xf32>
    %swap3A_152 = arith.constant 192 : index
    %swap3A_153 = tpu.vector_load %arg9[%swap3A_152] {strides = array<i32>} : memref<512xf32, #tpu.memory_space<vmem>>, vector<16xf32>,
    %swap3A_154 = vector.shape_cast %swap3A_153 : vector<16xf32> to vector<16xf32>
    %swap3A_155 = vector.shape_cast %broadcast_in_dim3A_151 : vector<16xf32> to vector<16xf32>
    tpu.vector_store %arg9[%swap3A_152], %swap3A_155 {strides = array<i32>} : memref<512xf32, #tpu.memory_space<vmem>>, vector<16xf32>,
    %broadcast_in_dim3A_156 = arith.constant 0.000000e+00 : f32
    %broadcast_in_dim3A_157 = vector.broadcast %broadcast_in_dim3A_156 : f32 to vector<16xf32>
    %swap3A_158 = arith.constant 208 : index
    %swap3A_159 = tpu.vector_load %arg9[%swap3A_158] {strides = array<i32>} : memref<512xf32, #tpu.memory_space<vmem>>, vector<16xf32>,
    %swap3A_160 = vector.shape_cast %swap3A_159 : vector<16xf32> to vector<16xf32>
    %swap3A_161 = vector.shape_cast %broadcast_in_dim3A_157 : vector<16xf32> to vector<16xf32>
    tpu.vector_store %arg9[%swap3A_158], %swap3A_161 {strides = array<i32>} : memref<512xf32, #tpu.memory_space<vmem>>, vector<16xf32>,
    %broadcast_in_dim3A_162 = arith.constant 0.000000e+00 : f32
    %broadcast_in_dim3A_163 = vector.broadcast %broadcast_in_dim3A_162 : f32 to vector<16xf32>
    %swap3A_164 = arith.constant 224 : index
    %swap3A_165 = tpu.vector_load %arg9[%swap3A_164] {strides = array<i32>} : memref<512xf32, #tpu.memory_space<vmem>>, vector<16xf32>,
    %swap3A_166 = vector.shape_cast %swap3A_165 : vector<16xf32> to vector<16xf32>
    %swap3A_167 = vector.shape_cast %broadcast_in_dim3A_163 : vector<16xf32> to vector<16xf32>
    tpu.vector_store %arg9[%swap3A_164], %swap3A_167 {strides = array<i32>} : memref<512xf32, #tpu.memory_space<vmem>>, vector<16xf32>,
    %broadcast_in_dim3A_168 = arith.constant 0.000000e+00 : f32
    %broadcast_in_dim3A_169 = vector.broadcast %broadcast_in_dim3A_168 : f32 to vector<16xf32>
    %swap3A_170 = arith.constant 240 : index
    %swap3A_171 = tpu.vector_load %arg9[%swap3A_170] {strides = array<i32>} : memref<512xf32, #tpu.memory_space<vmem>>, vector<16xf32>,
    %swap3A_172 = vector.shape_cast %swap3A_171 : vector<16xf32> to vector<16xf32>
    %swap3A_173 = vector.shape_cast %broadcast_in_dim3A_169 : vector<16xf32> to vector<16xf32>
    tpu.vector_store %arg9[%swap3A_170], %swap3A_173 {strides = array<i32>} : memref<512xf32, #tpu.memory_space<vmem>>, vector<16xf32>,
    %broadcast_in_dim3A_174 = arith.constant 0.000000e+00 : f32
    %broadcast_in_dim3A_175 = vector.broadcast %broadcast_in_dim3A_174 : f32 to vector<16xf32>
    %swap3A_176 = arith.constant 256 : index
    %swap3A_177 = tpu.vector_load %arg9[%swap3A_176] {strides = array<i32>} : memref<512xf32, #tpu.memory_space<vmem>>, vector<16xf32>,
    %swap3A_178 = vector.shape_cast %swap3A_177 : vector<16xf32> to vector<16xf32>
    %swap3A_179 = vector.shape_cast %broadcast_in_dim3A_175 : vector<16xf32> to vector<16xf32>
    tpu.vector_store %arg9[%swap3A_176], %swap3A_179 {strides = array<i32>} : memref<512xf32, #tpu.memory_space<vmem>>, vector<16xf32>,
    %broadcast_in_dim3A_180 = arith.constant 0.000000e+00 : f32
    %broadcast_in_dim3A_181 = vector.broadcast %broadcast_in_dim3A_180 : f32 to vector<16xf32>
    %swap3A_182 = arith.constant 272 : index
    %swap3A_183 = tpu.vector_load %arg9[%swap3A_182] {strides = array<i32>} : memref<512xf32, #tpu.memory_space<vmem>>, vector<16xf32>,
    %swap3A_184 = vector.shape_cast %swap3A_183 : vector<16xf32> to vector<16xf32>
    %swap3A_185 = vector.shape_cast %broadcast_in_dim3A_181 : vector<16xf32> to vector<16xf32>
    tpu.vector_store %arg9[%swap3A_182], %swap3A_185 {strides = array<i32>} : memref<512xf32, #tpu.memory_space<vmem>>, vector<16xf32>,
    %broadcast_in_dim3A_186 = arith.constant 0.000000e+00 : f32
    %broadcast_in_dim3A_187 = vector.broadcast %broadcast_in_dim3A_186 : f32 to vector<16xf32>
    %swap3A_188 = arith.constant 288 : index
    %swap3A_189 = tpu.vector_load %arg9[%swap3A_188] {strides = array<i32>} : memref<512xf32, #tpu.memory_space<vmem>>, vector<16xf32>,
    %swap3A_190 = vector.shape_cast %swap3A_189 : vector<16xf32> to vector<16xf32>
    %swap3A_191 = vector.shape_cast %broadcast_in_dim3A_187 : vector<16xf32> to vector<16xf32>
    tpu.vector_store %arg9[%swap3A_188], %swap3A_191 {strides = array<i32>} : memref<512xf32, #tpu.memory_space<vmem>>, vector<16xf32>,
    %broadcast_in_dim3A_192 = arith.constant 0.000000e+00 : f32
    %broadcast_in_dim3A_193 = vector.broadcast %broadcast_in_dim3A_192 : f32 to vector<16xf32>
    %swap3A_194 = arith.constant 304 : index
    %swap3A_195 = tpu.vector_load %arg9[%swap3A_194] {strides = array<i32>} : memref<512xf32, #tpu.memory_space<vmem>>, vector<16xf32>,
    %swap3A_196 = vector.shape_cast %swap3A_195 : vector<16xf32> to vector<16xf32>
    %swap3A_197 = vector.shape_cast %broadcast_in_dim3A_193 : vector<16xf32> to vector<16xf32>
    tpu.vector_store %arg9[%swap3A_194], %swap3A_197 {strides = array<i32>} : memref<512xf32, #tpu.memory_space<vmem>>, vector<16xf32>,
    %broadcast_in_dim3A_198 = arith.constant 0.000000e+00 : f32
    %broadcast_in_dim3A_199 = vector.broadcast %broadcast_in_dim3A_198 : f32 to vector<16xf32>
    %swap3A_200 = arith.constant 320 : index
    %swap3A_201 = tpu.vector_load %arg9[%swap3A_200] {strides = array<i32>} : memref<512xf32, #tpu.memory_space<vmem>>, vector<16xf32>,
    %swap3A_202 = vector.shape_cast %swap3A_201 : vector<16xf32> to vector<16xf32>
    %swap3A_203 = vector.shape_cast %broadcast_in_dim3A_199 : vector<16xf32> to vector<16xf32>
    tpu.vector_store %arg9[%swap3A_200], %swap3A_203 {strides = array<i32>} : memref<512xf32, #tpu.memory_space<vmem>>, vector<16xf32>,
    %broadcast_in_dim3A_204 = arith.constant 0.000000e+00 : f32
    %broadcast_in_dim3A_205 = vector.broadcast %broadcast_in_dim3A_204 : f32 to vector<16xf32>
    %swap3A_206 = arith.constant 336 : index
    %swap3A_207 = tpu.vector_load %arg9[%swap3A_206] {strides = array<i32>} : memref<512xf32, #tpu.memory_space<vmem>>, vector<16xf32>,
    %swap3A_208 = vector.shape_cast %swap3A_207 : vector<16xf32> to vector<16xf32>
    %swap3A_209 = vector.shape_cast %broadcast_in_dim3A_205 : vector<16xf32> to vector<16xf32>
    tpu.vector_store %arg9[%swap3A_206], %swap3A_209 {strides = array<i32>} : memref<512xf32, #tpu.memory_space<vmem>>, vector<16xf32>,
    %broadcast_in_dim3A_210 = arith.constant 0.000000e+00 : f32
    %broadcast_in_dim3A_211 = vector.broadcast %broadcast_in_dim3A_210 : f32 to vector<16xf32>
    %swap3A_212 = arith.constant 352 : index
    %swap3A_213 = tpu.vector_load %arg9[%swap3A_212] {strides = array<i32>} : memref<512xf32, #tpu.memory_space<vmem>>, vector<16xf32>,
    %swap3A_214 = vector.shape_cast %swap3A_213 : vector<16xf32> to vector<16xf32>
    %swap3A_215 = vector.shape_cast %broadcast_in_dim3A_211 : vector<16xf32> to vector<16xf32>
    tpu.vector_store %arg9[%swap3A_212], %swap3A_215 {strides = array<i32>} : memref<512xf32, #tpu.memory_space<vmem>>, vector<16xf32>,
    %broadcast_in_dim3A_216 = arith.constant 0.000000e+00 : f32
    %broadcast_in_dim3A_217 = vector.broadcast %broadcast_in_dim3A_216 : f32 to vector<16xf32>
    %swap3A_218 = arith.constant 368 : index
    %swap3A_219 = tpu.vector_load %arg9[%swap3A_218] {strides = array<i32>} : memref<512xf32, #tpu.memory_space<vmem>>, vector<16xf32>,
    %swap3A_220 = vector.shape_cast %swap3A_219 : vector<16xf32> to vector<16xf32>
    %swap3A_221 = vector.shape_cast %broadcast_in_dim3A_217 : vector<16xf32> to vector<16xf32>
    tpu.vector_store %arg9[%swap3A_218], %swap3A_221 {strides = array<i32>} : memref<512xf32, #tpu.memory_space<vmem>>, vector<16xf32>,
    %broadcast_in_dim3A_222 = arith.constant 0.000000e+00 : f32
    %broadcast_in_dim3A_223 = vector.broadcast %broadcast_in_dim3A_222 : f32 to vector<16xf32>
    %swap3A_224 = arith.constant 384 : index
    %swap3A_225 = tpu.vector_load %arg9[%swap3A_224] {strides = array<i32>} : memref<512xf32, #tpu.memory_space<vmem>>, vector<16xf32>,
    %swap3A_226 = vector.shape_cast %swap3A_225 : vector<16xf32> to vector<16xf32>
    %swap3A_227 = vector.shape_cast %broadcast_in_dim3A_223 : vector<16xf32> to vector<16xf32>
    tpu.vector_store %arg9[%swap3A_224], %swap3A_227 {strides = array<i32>} : memref<512xf32, #tpu.memory_space<vmem>>, vector<16xf32>,
    %broadcast_in_dim3A_228 = arith.constant 0.000000e+00 : f32
    %broadcast_in_dim3A_229 = vector.broadcast %broadcast_in_dim3A_228 : f32 to vector<16xf32>
    %swap3A_230 = arith.constant 400 : index
    %swap3A_231 = tpu.vector_load %arg9[%swap3A_230] {strides = array<i32>} : memref<512xf32, #tpu.memory_space<vmem>>, vector<16xf32>,
    %swap3A_232 = vector.shape_cast %swap3A_231 : vector<16xf32> to vector<16xf32>
    %swap3A_233 = vector.shape_cast %broadcast_in_dim3A_229 : vector<16xf32> to vector<16xf32>
    tpu.vector_store %arg9[%swap3A_230], %swap3A_233 {strides = array<i32>} : memref<512xf32, #tpu.memory_space<vmem>>, vector<16xf32>,
    %broadcast_in_dim3A_234 = arith.constant 0.000000e+00 : f32
    %broadcast_in_dim3A_235 = vector.broadcast %broadcast_in_dim3A_234 : f32 to vector<16xf32>
    %swap3A_236 = arith.constant 416 : index
    %swap3A_237 = tpu.vector_load %arg9[%swap3A_236] {strides = array<i32>} : memref<512xf32, #tpu.memory_space<vmem>>, vector<16xf32>,
    %swap3A_238 = vector.shape_cast %swap3A_237 : vector<16xf32> to vector<16xf32>
    %swap3A_239 = vector.shape_cast %broadcast_in_dim3A_235 : vector<16xf32> to vector<16xf32>
    tpu.vector_store %arg9[%swap3A_236], %swap3A_239 {strides = array<i32>} : memref<512xf32, #tpu.memory_space<vmem>>, vector<16xf32>,
    %broadcast_in_dim3A_240 = arith.constant 0.000000e+00 : f32
    %broadcast_in_dim3A_241 = vector.broadcast %broadcast_in_dim3A_240 : f32 to vector<16xf32>
    %swap3A_242 = arith.constant 432 : index
    %swap3A_243 = tpu.vector_load %arg9[%swap3A_242] {strides = array<i32>} : memref<512xf32, #tpu.memory_space<vmem>>, vector<16xf32>,
    %swap3A_244 = vector.shape_cast %swap3A_243 : vector<16xf32> to vector<16xf32>
    %swap3A_245 = vector.shape_cast %broadcast_in_dim3A_241 : vector<16xf32> to vector<16xf32>
    tpu.vector_store %arg9[%swap3A_242], %swap3A_245 {strides = array<i32>} : memref<512xf32, #tpu.memory_space<vmem>>, vector<16xf32>,
    %broadcast_in_dim3A_246 = arith.constant 0.000000e+00 : f32
    %broadcast_in_dim3A_247 = vector.broadcast %broadcast_in_dim3A_246 : f32 to vector<16xf32>
    %swap3A_248 = arith.constant 448 : index
    %swap3A_249 = tpu.vector_load %arg9[%swap3A_248] {strides = array<i32>} : memref<512xf32, #tpu.memory_space<vmem>>, vector<16xf32>,
    %swap3A_250 = vector.shape_cast %swap3A_249 : vector<16xf32> to vector<16xf32>
    %swap3A_251 = vector.shape_cast %broadcast_in_dim3A_247 : vector<16xf32> to vector<16xf32>
    tpu.vector_store %arg9[%swap3A_248], %swap3A_251 {strides = array<i32>} : memref<512xf32, #tpu.memory_space<vmem>>, vector<16xf32>,
    %broadcast_in_dim3A_252 = arith.constant 0.000000e+00 : f32
    %broadcast_in_dim3A_253 = vector.broadcast %broadcast_in_dim3A_252 : f32 to vector<16xf32>
    %swap3A_254 = arith.constant 464 : index
    %swap3A_255 = tpu.vector_load %arg9[%swap3A_254] {strides = array<i32>} : memref<512xf32, #tpu.memory_space<vmem>>, vector<16xf32>,
    %swap3A_256 = vector.shape_cast %swap3A_255 : vector<16xf32> to vector<16xf32>
    %swap3A_257 = vector.shape_cast %broadcast_in_dim3A_253 : vector<16xf32> to vector<16xf32>
    tpu.vector_store %arg9[%swap3A_254], %swap3A_257 {strides = array<i32>} : memref<512xf32, #tpu.memory_space<vmem>>, vector<16xf32>,
    %broadcast_in_dim3A_258 = arith.constant 0.000000e+00 : f32
    %broadcast_in_dim3A_259 = vector.broadcast %broadcast_in_dim3A_258 : f32 to vector<16xf32>
    %swap3A_260 = arith.constant 480 : index
    %swap3A_261 = tpu.vector_load %arg9[%swap3A_260] {strides = array<i32>} : memref<512xf32, #tpu.memory_space<vmem>>, vector<16xf32>,
    %swap3A_262 = vector.shape_cast %swap3A_261 : vector<16xf32> to vector<16xf32>
    %swap3A_263 = vector.shape_cast %broadcast_in_dim3A_259 : vector<16xf32> to vector<16xf32>
    tpu.vector_store %arg9[%swap3A_260], %swap3A_263 {strides = array<i32>} : memref<512xf32, #tpu.memory_space<vmem>>, vector<16xf32>,
    %broadcast_in_dim3A_264 = arith.constant 0.000000e+00 : f32
    %broadcast_in_dim3A_265 = vector.broadcast %broadcast_in_dim3A_264 : f32 to vector<16xf32>
    %swap3A_266 = arith.constant 496 : index
    %swap3A_267 = tpu.vector_load %arg9[%swap3A_266] {strides = array<i32>} : memref<512xf32, #tpu.memory_space<vmem>>, vector<16xf32>,
    %swap3A_268 = vector.shape_cast %swap3A_267 : vector<16xf32> to vector<16xf32>
    %swap3A_269 = vector.shape_cast %broadcast_in_dim3A_265 : vector<16xf32> to vector<16xf32>
    tpu.vector_store %arg9[%swap3A_266], %swap3A_269 {strides = array<i32>} : memref<512xf32, #tpu.memory_space<vmem>>, vector<16xf32>,
    %mul3A_270 = arith.constant 512 : i32
    %mul3A_271 = arith.muli %arg1, %mul3A_270 : i32
    "tpu.region"() ({
      %run_scoped3A_373 = tpu.sem_alloc : memref<!tpu.dma_semaphore, #tpu.memory_space<semaphore_mem>>
      %dma_start3A_374 = tpu.memref_slice %arg10[%mul3A_271] : memref<8192xf32, #tpu.memory_space<vmem_shared>> -> memref<512xf32, #tpu.memory_space<vmem_shared>>
      %dma_start3A_375 = tpu.memref_slice %arg10[%mul3A_271] : memref<8192xf32, #tpu.memory_space<vmem_shared>> -> memref<512xf32, #tpu.memory_space<vmem_shared>>
      tpu.enqueue_dma source(%arg9 : memref<512xf32, #tpu.memory_space<vmem>>) target(%dma_start3A_375 : memref<512xf32, #tpu.memory_space<vmem_shared>>) target_semaphore(%run_scoped3A_373 : memref<!tpu.dma_semaphore, #tpu.memory_space<semaphore_mem>>)
      %dma_wait3A_376 = tpu.memref_slice %arg10[%mul3A_271] : memref<8192xf32, #tpu.memory_space<vmem_shared>> -> memref<512xf32, #tpu.memory_space<vmem_shared>>
      %dma_wait3A_377 = tpu.memref_slice %arg10[%mul3A_271] : memref<8192xf32, #tpu.memory_space<vmem_shared>> -> memref<512xf32, #tpu.memory_space<vmem_shared>>
      tpu.wait_dma2 semaphore(%run_scoped3A_373 : memref<!tpu.dma_semaphore, #tpu.memory_space<semaphore_mem>>) src(%arg9 : memref<512xf32, #tpu.memory_space<vmem>>) dst(%dma_wait3A_377 : memref<512xf32, #tpu.memory_space<vmem_shared>>)
      tpu.yield
    }) : () -> ()
    %dma_start3A = arith.constant 0 : i32
    %dma_start3A_272 = arith.constant 0 : i32
    %dma_start3A_273 = arith.constant 0 : i32
    %dma_start3A_274 = arith.constant 0 : i32
    %dma_start3A_275 = tpu.memref_slice %arg7[%dma_start3A_272, %dma_start3A_273, %dma_start3A_274] : memref<2x128x256xf32, #tpu.memory_space<vmem>> -> memref<1x128x256xf32, #tpu.memory_space<vmem>>
    %dma_start3A_276 = tpu.memref_squeeze %dma_start3A_275 : memref<1x128x256xf32, #tpu.memory_space<vmem>> -> memref<128x256xf32, #tpu.memory_space<vmem>>
    %dma_start3A_277 = arith.constant 0 : i32
    %dma_start3A_278 = tpu.memref_slice %arg6[%dma_start3A, %dma_start3A_277] : memref<2x128xi32, #tpu.memory_space<vmem>> -> memref<1x128xi32, #tpu.memory_space<vmem>>
    %dma_start3A_279 = tpu.memref_squeeze %dma_start3A_278 : memref<1x128xi32, #tpu.memory_space<vmem>> -> memref<128xi32, #tpu.memory_space<vmem>>
    %dma_start3A_280 = arith.constant 0 : i32
    %dma_start3A_281 = arith.constant 0 : i32
    %dma_start3A_282 = tpu.memref_slice %arg2[%dma_start3A_280, %dma_start3A_281] : memref<8192x256xf32, #tpu.memory_space<hbm>> -> memref<8192x256xf32, #tpu.memory_space<hbm>>
    tpu.enqueue_indirect_dma source(%dma_start3A_282 : memref<8192x256xf32, #tpu.memory_space<hbm>>) target(%dma_start3A_276 : memref<128x256xf32, #tpu.memory_space<vmem>>) offsets(%dma_start3A_279 : memref<128xi32, #tpu.memory_space<vmem>>) semaphore(%arg11 : memref<!tpu.dma_semaphore, #tpu.memory_space<semaphore_mem>>)
    %dma_start3A_283 = arith.constant 1 : i32
    %dma_start3A_284 = arith.constant 1 : i32
    %dma_start3A_285 = arith.constant 0 : i32
    %dma_start3A_286 = arith.constant 0 : i32
    %dma_start3A_287 = tpu.memref_slice %arg7[%dma_start3A_284, %dma_start3A_285, %dma_start3A_286] : memref<2x128x256xf32, #tpu.memory_space<vmem>> -> memref<1x128x256xf32, #tpu.memory_space<vmem>>
    %dma_start3A_288 = tpu.memref_squeeze %dma_start3A_287 : memref<1x128x256xf32, #tpu.memory_space<vmem>> -> memref<128x256xf32, #tpu.memory_space<vmem>>
    %dma_start3A_289 = arith.constant 0 : i32
    %dma_start3A_290 = tpu.memref_slice %arg6[%dma_start3A_283, %dma_start3A_289] : memref<2x128xi32, #tpu.memory_space<vmem>> -> memref<1x128xi32, #tpu.memory_space<vmem>>
    %dma_start3A_291 = tpu.memref_squeeze %dma_start3A_290 : memref<1x128xi32, #tpu.memory_space<vmem>> -> memref<128xi32, #tpu.memory_space<vmem>>
    %dma_start3A_292 = arith.constant 0 : i32
    %dma_start3A_293 = arith.constant 0 : i32
    %dma_start3A_294 = tpu.memref_slice %arg2[%dma_start3A_292, %dma_start3A_293] : memref<8192x256xf32, #tpu.memory_space<hbm>> -> memref<8192x256xf32, #tpu.memory_space<hbm>>
    tpu.enqueue_indirect_dma source(%dma_start3A_294 : memref<8192x256xf32, #tpu.memory_space<hbm>>) target(%dma_start3A_288 : memref<128x256xf32, #tpu.memory_space<vmem>>) offsets(%dma_start3A_291 : memref<128xi32, #tpu.memory_space<vmem>>) semaphore(%arg11 : memref<!tpu.dma_semaphore, #tpu.memory_space<semaphore_mem>>)
    %dma_wait3A = arith.constant 0 : i32
    %dma_wait3A_295 = arith.constant 0 : i32
    %dma_wait3A_296 = arith.constant 0 : i32
    %dma_wait3A_297 = arith.constant 0 : i32
    %dma_wait3A_298 = tpu.memref_slice %arg7[%dma_wait3A_295, %dma_wait3A_296, %dma_wait3A_297] : memref<2x128x256xf32, #tpu.memory_space<vmem>> -> memref<1x128x256xf32, #tpu.memory_space<vmem>>
    %dma_wait3A_299 = tpu.memref_squeeze %dma_wait3A_298 : memref<1x128x256xf32, #tpu.memory_space<vmem>> -> memref<128x256xf32, #tpu.memory_space<vmem>>
    %dma_wait3A_300 = arith.constant 0 : i32
    %dma_wait3A_301 = tpu.memref_slice %arg6[%dma_wait3A, %dma_wait3A_300] : memref<2x128xi32, #tpu.memory_space<vmem>> -> memref<1x128xi32, #tpu.memory_space<vmem>>
    %dma_wait3A_302 = tpu.memref_squeeze %dma_wait3A_301 : memref<1x128xi32, #tpu.memory_space<vmem>> -> memref<128xi32, #tpu.memory_space<vmem>>
    %dma_wait3A_303 = arith.constant 0 : i32
    %dma_wait3A_304 = arith.constant 0 : i32
    %dma_wait3A_305 = tpu.memref_slice %arg2[%dma_wait3A_303, %dma_wait3A_304] : memref<8192x256xf32, #tpu.memory_space<hbm>> -> memref<8192x256xf32, #tpu.memory_space<hbm>>
    tpu.wait_indirect_dma semaphore(%arg11 : memref<!tpu.dma_semaphore, #tpu.memory_space<semaphore_mem>>) src(%dma_wait3A_305 : memref<8192x256xf32, #tpu.memory_space<hbm>>) dst(%dma_wait3A_299 : memref<128x256xf32, #tpu.memory_space<vmem>>)
    %dma_wait3A_306 = arith.constant 1 : i32
    %dma_wait3A_307 = arith.constant 1 : i32
    %dma_wait3A_308 = arith.constant 0 : i32
    %dma_wait3A_309 = arith.constant 0 : i32
    %dma_wait3A_310 = tpu.memref_slice %arg7[%dma_wait3A_307, %dma_wait3A_308, %dma_wait3A_309] : memref<2x128x256xf32, #tpu.memory_space<vmem>> -> memref<1x128x256xf32, #tpu.memory_space<vmem>>
    %dma_wait3A_311 = tpu.memref_squeeze %dma_wait3A_310 : memref<1x128x256xf32, #tpu.memory_space<vmem>> -> memref<128x256xf32, #tpu.memory_space<vmem>>
    %dma_wait3A_312 = arith.constant 0 : i32
    %dma_wait3A_313 = tpu.memref_slice %arg6[%dma_wait3A_306, %dma_wait3A_312] : memref<2x128xi32, #tpu.memory_space<vmem>> -> memref<1x128xi32, #tpu.memory_space<vmem>>
    %dma_wait3A_314 = tpu.memref_squeeze %dma_wait3A_313 : memref<1x128xi32, #tpu.memory_space<vmem>> -> memref<128xi32, #tpu.memory_space<vmem>>
    %dma_wait3A_315 = arith.constant 0 : i32
    %dma_wait3A_316 = arith.constant 0 : i32
    %dma_wait3A_317 = tpu.memref_slice %arg2[%dma_wait3A_315, %dma_wait3A_316] : memref<8192x256xf32, #tpu.memory_space<hbm>> -> memref<8192x256xf32, #tpu.memory_space<hbm>>
    tpu.wait_indirect_dma semaphore(%arg11 : memref<!tpu.dma_semaphore, #tpu.memory_space<semaphore_mem>>) src(%dma_wait3A_317 : memref<8192x256xf32, #tpu.memory_space<hbm>>) dst(%dma_wait3A_311 : memref<128x256xf32, #tpu.memory_space<vmem>>)
    %mul3A_318 = arith.constant 2 : i32
    %mul3A_319 = arith.muli %mul3A_318, %add3A : i32
    "tpu.region"() ({
      %run_scoped3A_373 = tpu.sem_alloc : memref<!tpu.dma_semaphore, #tpu.memory_space<semaphore_mem>>
      %dma_start3A_374 = arith.constant 0 : i32
      %dma_start3A_375 = arith.constant 0 : i32
      %dma_start3A_376 = tpu.memref_slice %arg4[%mul3A_319, %dma_start3A_374, %dma_start3A_375] : memref<64x128x256xf32, #tpu.memory_space<hbm>> -> memref<2x128x256xf32, #tpu.memory_space<hbm>>
      %dma_start3A_377 = arith.constant 0 : i32
      %dma_start3A_378 = arith.constant 0 : i32
      %dma_start3A_379 = tpu.memref_slice %arg4[%mul3A_319, %dma_start3A_377, %dma_start3A_378] : memref<64x128x256xf32, #tpu.memory_space<hbm>> -> memref<2x128x256xf32, #tpu.memory_space<hbm>>
      tpu.enqueue_dma source(%arg7 : memref<2x128x256xf32, #tpu.memory_space<vmem>>) target(%dma_start3A_379 : memref<2x128x256xf32, #tpu.memory_space<hbm>>) target_semaphore(%run_scoped3A_373 : memref<!tpu.dma_semaphore, #tpu.memory_space<semaphore_mem>>)
      %dma_wait3A_380 = arith.constant 0 : i32
      %dma_wait3A_381 = arith.constant 0 : i32
      %dma_wait3A_382 = tpu.memref_slice %arg4[%mul3A_319, %dma_wait3A_380, %dma_wait3A_381] : memref<64x128x256xf32, #tpu.memory_space<hbm>> -> memref<2x128x256xf32, #tpu.memory_space<hbm>>
      %dma_wait3A_383 = arith.constant 0 : i32
      %dma_wait3A_384 = arith.constant 0 : i32
      %dma_wait3A_385 = tpu.memref_slice %arg4[%mul3A_319, %dma_wait3A_383, %dma_wait3A_384] : memref<64x128x256xf32, #tpu.memory_space<hbm>> -> memref<2x128x256xf32, #tpu.memory_space<hbm>>
      tpu.wait_dma2 semaphore(%run_scoped3A_373 : memref<!tpu.dma_semaphore, #tpu.memory_space<semaphore_mem>>) src(%arg7 : memref<2x128x256xf32, #tpu.memory_space<vmem>>) dst(%dma_wait3A_385 : memref<2x128x256xf32, #tpu.memory_space<hbm>>)
      tpu.yield
    }) : () -> ()
    %broadcast_in_dim3A_320 = arith.constant 1.000000e+00 : f32
    %broadcast_in_dim3A_321 = vector.broadcast %broadcast_in_dim3A_320 : f32 to vector<16xf32>
    %swap3A_322 = arith.constant 0 : index
    %swap3A_323 = tpu.vector_load %arg8[%swap3A_322] {strides = array<i32>} : memref<128xf32, #tpu.memory_space<vmem>>, vector<16xf32>,
    %swap3A_324 = vector.shape_cast %swap3A_323 : vector<16xf32> to vector<16xf32>
    %swap3A_325 = vector.shape_cast %broadcast_in_dim3A_321 : vector<16xf32> to vector<16xf32>
    tpu.vector_store %arg8[%swap3A_322], %swap3A_325 {strides = array<i32>} : memref<128xf32, #tpu.memory_space<vmem>>, vector<16xf32>,
    %broadcast_in_dim3A_326 = arith.constant 1.000000e+00 : f32
    %broadcast_in_dim3A_327 = vector.broadcast %broadcast_in_dim3A_326 : f32 to vector<16xf32>
    %swap3A_328 = arith.constant 16 : index
    %swap3A_329 = tpu.vector_load %arg8[%swap3A_328] {strides = array<i32>} : memref<128xf32, #tpu.memory_space<vmem>>, vector<16xf32>,
    %swap3A_330 = vector.shape_cast %swap3A_329 : vector<16xf32> to vector<16xf32>
    %swap3A_331 = vector.shape_cast %broadcast_in_dim3A_327 : vector<16xf32> to vector<16xf32>
    tpu.vector_store %arg8[%swap3A_328], %swap3A_331 {strides = array<i32>} : memref<128xf32, #tpu.memory_space<vmem>>, vector<16xf32>,
    %broadcast_in_dim3A_332 = arith.constant 1.000000e+00 : f32
    %broadcast_in_dim3A_333 = vector.broadcast %broadcast_in_dim3A_332 : f32 to vector<16xf32>
    %swap3A_334 = arith.constant 32 : index
    %swap3A_335 = tpu.vector_load %arg8[%swap3A_334] {strides = array<i32>} : memref<128xf32, #tpu.memory_space<vmem>>, vector<16xf32>,
    %swap3A_336 = vector.shape_cast %swap3A_335 : vector<16xf32> to vector<16xf32>
    %swap3A_337 = vector.shape_cast %broadcast_in_dim3A_333 : vector<16xf32> to vector<16xf32>
    tpu.vector_store %arg8[%swap3A_334], %swap3A_337 {strides = array<i32>} : memref<128xf32, #tpu.memory_space<vmem>>, vector<16xf32>,
    %broadcast_in_dim3A_338 = arith.constant 1.000000e+00 : f32
    %broadcast_in_dim3A_339 = vector.broadcast %broadcast_in_dim3A_338 : f32 to vector<16xf32>
    %swap3A_340 = arith.constant 48 : index
    %swap3A_341 = tpu.vector_load %arg8[%swap3A_340] {strides = array<i32>} : memref<128xf32, #tpu.memory_space<vmem>>, vector<16xf32>,
    %swap3A_342 = vector.shape_cast %swap3A_341 : vector<16xf32> to vector<16xf32>
    %swap3A_343 = vector.shape_cast %broadcast_in_dim3A_339 : vector<16xf32> to vector<16xf32>
    tpu.vector_store %arg8[%swap3A_340], %swap3A_343 {strides = array<i32>} : memref<128xf32, #tpu.memory_space<vmem>>, vector<16xf32>,
    %broadcast_in_dim3A_344 = arith.constant 1.000000e+00 : f32
    %broadcast_in_dim3A_345 = vector.broadcast %broadcast_in_dim3A_344 : f32 to vector<16xf32>
    %swap3A_346 = arith.constant 64 : index
    %swap3A_347 = tpu.vector_load %arg8[%swap3A_346] {strides = array<i32>} : memref<128xf32, #tpu.memory_space<vmem>>, vector<16xf32>,
    %swap3A_348 = vector.shape_cast %swap3A_347 : vector<16xf32> to vector<16xf32>
    %swap3A_349 = vector.shape_cast %broadcast_in_dim3A_345 : vector<16xf32> to vector<16xf32>
    tpu.vector_store %arg8[%swap3A_346], %swap3A_349 {strides = array<i32>} : memref<128xf32, #tpu.memory_space<vmem>>, vector<16xf32>,
    %broadcast_in_dim3A_350 = arith.constant 1.000000e+00 : f32
    %broadcast_in_dim3A_351 = vector.broadcast %broadcast_in_dim3A_350 : f32 to vector<16xf32>
    %swap3A_352 = arith.constant 80 : index
    %swap3A_353 = tpu.vector_load %arg8[%swap3A_352] {strides = array<i32>} : memref<128xf32, #tpu.memory_space<vmem>>, vector<16xf32>,
    %swap3A_354 = vector.shape_cast %swap3A_353 : vector<16xf32> to vector<16xf32>
    %swap3A_355 = vector.shape_cast %broadcast_in_dim3A_351 : vector<16xf32> to vector<16xf32>
    tpu.vector_store %arg8[%swap3A_352], %swap3A_355 {strides = array<i32>} : memref<128xf32, #tpu.memory_space<vmem>>, vector<16xf32>,
    %broadcast_in_dim3A_356 = arith.constant 1.000000e+00 : f32
    %broadcast_in_dim3A_357 = vector.broadcast %broadcast_in_dim3A_356 : f32 to vector<16xf32>
    %swap3A_358 = arith.constant 96 : index
    %swap3A_359 = tpu.vector_load %arg8[%swap3A_358] {strides = array<i32>} : memref<128xf32, #tpu.memory_space<vmem>>, vector<16xf32>,
    %swap3A_360 = vector.shape_cast %swap3A_359 : vector<16xf32> to vector<16xf32>
    %swap3A_361 = vector.shape_cast %broadcast_in_dim3A_357 : vector<16xf32> to vector<16xf32>
    tpu.vector_store %arg8[%swap3A_358], %swap3A_361 {strides = array<i32>} : memref<128xf32, #tpu.memory_space<vmem>>, vector<16xf32>,
    %broadcast_in_dim3A_362 = arith.constant 1.000000e+00 : f32
    %broadcast_in_dim3A_363 = vector.broadcast %broadcast_in_dim3A_362 : f32 to vector<16xf32>
    %swap3A_364 = arith.constant 112 : index
    %swap3A_365 = tpu.vector_load %arg8[%swap3A_364] {strides = array<i32>} : memref<128xf32, #tpu.memory_space<vmem>>, vector<16xf32>,
    %swap3A_366 = vector.shape_cast %swap3A_365 : vector<16xf32> to vector<16xf32>
    %swap3A_367 = vector.shape_cast %broadcast_in_dim3A_363 : vector<16xf32> to vector<16xf32>
    tpu.vector_store %arg8[%swap3A_364], %swap3A_367 {strides = array<i32>} : memref<128xf32, #tpu.memory_space<vmem>>, vector<16xf32>,
    %barrier3A = arith.constant 0 : index
    tpu.barrier barrier_id(%barrier3A)
    %run_scoped3A_368 = arith.constant 0 : i32
    "tpu.region"() ({
      %run_scoped3A_373 = tpu.sem_alloc : memref<!tpu.dma_semaphore, #tpu.memory_space<semaphore_mem>>
      %dma_start3A_374 = arith.constant 0 : i32
      %dma_start3A_375 = tpu.memref_slice %arg6[%run_scoped3A_368, %dma_start3A_374] : memref<2x128xi32, #tpu.memory_space<vmem>> -> memref<1x128xi32, #tpu.memory_space<vmem>>
      %dma_start3A_376 = tpu.memref_squeeze %dma_start3A_375 : memref<1x128xi32, #tpu.memory_space<vmem>> -> memref<128xi32, #tpu.memory_space<vmem>>
      %dma_start3A_377 = arith.constant 0 : i32
      %dma_start3A_378 = tpu.memref_slice %arg10[%dma_start3A_377] : memref<8192xf32, #tpu.memory_space<vmem_shared>> -> memref<8192xf32, #tpu.memory_space<vmem_shared>>
      tpu.enqueue_indirect_dma source(%arg8 : memref<128xf32, #tpu.memory_space<vmem>>) target(%dma_start3A_378 : memref<8192xf32, #tpu.memory_space<vmem_shared>>) offsets(%dma_start3A_376 : memref<128xi32, #tpu.memory_space<vmem>>) semaphore(%run_scoped3A_373 : memref<!tpu.dma_semaphore, #tpu.memory_space<semaphore_mem>>) {add = true}
      %dma_wait3A_379 = arith.constant 0 : i32
      %dma_wait3A_380 = tpu.memref_slice %arg6[%run_scoped3A_368, %dma_wait3A_379] : memref<2x128xi32, #tpu.memory_space<vmem>> -> memref<1x128xi32, #tpu.memory_space<vmem>>
      %dma_wait3A_381 = tpu.memref_squeeze %dma_wait3A_380 : memref<1x128xi32, #tpu.memory_space<vmem>> -> memref<128xi32, #tpu.memory_space<vmem>>
      %dma_wait3A_382 = arith.constant 0 : i32
      %dma_wait3A_383 = tpu.memref_slice %arg10[%dma_wait3A_382] : memref<8192xf32, #tpu.memory_space<vmem_shared>> -> memref<8192xf32, #tpu.memory_space<vmem_shared>>
      tpu.wait_indirect_dma semaphore(%run_scoped3A_373 : memref<!tpu.dma_semaphore, #tpu.memory_space<semaphore_mem>>) src(%arg8 : memref<128xf32, #tpu.memory_space<vmem>>) dst(%dma_wait3A_383 : memref<8192xf32, #tpu.memory_space<vmem_shared>>)
      tpu.yield
    }) : () -> ()
    %run_scoped3A_369 = arith.constant 1 : i32
    "tpu.region"() ({
      %run_scoped3A_373 = tpu.sem_alloc : memref<!tpu.dma_semaphore, #tpu.memory_space<semaphore_mem>>
      %dma_start3A_374 = arith.constant 0 : i32
      %dma_start3A_375 = tpu.memref_slice %arg6[%run_scoped3A_369, %dma_start3A_374] : memref<2x128xi32, #tpu.memory_space<vmem>> -> memref<1x128xi32, #tpu.memory_space<vmem>>
      %dma_start3A_376 = tpu.memref_squeeze %dma_start3A_375 : memref<1x128xi32, #tpu.memory_space<vmem>> -> memref<128xi32, #tpu.memory_space<vmem>>
      %dma_start3A_377 = arith.constant 0 : i32
      %dma_start3A_378 = tpu.memref_slice %arg10[%dma_start3A_377] : memref<8192xf32, #tpu.memory_space<vmem_shared>> -> memref<8192xf32, #tpu.memory_space<vmem_shared>>
      tpu.enqueue_indirect_dma source(%arg8 : memref<128xf32, #tpu.memory_space<vmem>>) target(%dma_start3A_378 : memref<8192xf32, #tpu.memory_space<vmem_shared>>) offsets(%dma_start3A_376 : memref<128xi32, #tpu.memory_space<vmem>>) semaphore(%run_scoped3A_373 : memref<!tpu.dma_semaphore, #tpu.memory_space<semaphore_mem>>) {add = true}
      %dma_wait3A_379 = arith.constant 0 : i32
      %dma_wait3A_380 = tpu.memref_slice %arg6[%run_scoped3A_369, %dma_wait3A_379] : memref<2x128xi32, #tpu.memory_space<vmem>> -> memref<1x128xi32, #tpu.memory_space<vmem>>
      %dma_wait3A_381 = tpu.memref_squeeze %dma_wait3A_380 : memref<1x128xi32, #tpu.memory_space<vmem>> -> memref<128xi32, #tpu.memory_space<vmem>>
      %dma_wait3A_382 = arith.constant 0 : i32
      %dma_wait3A_383 = tpu.memref_slice %arg10[%dma_wait3A_382] : memref<8192xf32, #tpu.memory_space<vmem_shared>> -> memref<8192xf32, #tpu.memory_space<vmem_shared>>
      tpu.wait_indirect_dma semaphore(%run_scoped3A_373 : memref<!tpu.dma_semaphore, #tpu.memory_space<semaphore_mem>>) src(%arg8 : memref<128xf32, #tpu.memory_space<vmem>>) dst(%dma_wait3A_383 : memref<8192xf32, #tpu.memory_space<vmem_shared>>)
      tpu.yield
    }) : () -> ()
    %barrier3A_370 = arith.constant 0 : index
    tpu.barrier barrier_id(%barrier3A_370)
    %mul3A_371 = arith.constant 512 : i32
    %mul3A_372 = arith.muli %arg1, %mul3A_371 : i32
    "tpu.region"() ({
      %run_scoped3A_373 = tpu.sem_alloc : memref<!tpu.dma_semaphore, #tpu.memory_space<semaphore_mem>>
      %dma_start3A_374 = arith.constant 0 : i32
      %dma_start3A_375 = tpu.memref_slice %arg5[%arg0, %arg1, %dma_start3A_374] : memref<2x16x512xf32, #tpu.memory_space<hbm>> -> memref<1x1x512xf32, #tpu.memory_space<hbm>>
      %dma_start3A_376 = tpu.memref_squeeze %dma_start3A_375 : memref<1x1x512xf32, #tpu.memory_space<hbm>> -> memref<512xf32, #tpu.memory_space<hbm>>
      %dma_start3A_377 = tpu.memref_slice %arg10[%mul3A_372] : memref<8192xf32, #tpu.memory_space<vmem_shared>> -> memref<512xf32, #tpu.memory_space<vmem_shared>>
      tpu.enqueue_dma source(%dma_start3A_377 : memref<512xf32, #tpu.memory_space<vmem_shared>>) target(%dma_start3A_376 : memref<512xf32, #tpu.memory_space<hbm>>) target_semaphore(%run_scoped3A_373 : memref<!tpu.dma_semaphore, #tpu.memory_space<semaphore_mem>>)
      %dma_wait3A_378 = arith.constant 0 : i32
      %dma_wait3A_379 = tpu.memref_slice %arg5[%arg0, %arg1, %dma_wait3A_378] : memref<2x16x512xf32, #tpu.memory_space<hbm>> -> memref<1x1x512xf32, #tpu.memory_space<hbm>>
      %dma_wait3A_380 = tpu.memref_squeeze %dma_wait3A_379 : memref<1x1x512xf32, #tpu.memory_space<hbm>> -> memref<512xf32, #tpu.memory_space<hbm>>
      %dma_wait3A_381 = tpu.memref_slice %arg10[%mul3A_372] : memref<8192xf32, #tpu.memory_space<vmem_shared>> -> memref<512xf32, #tpu.memory_space<vmem_shared>>
      tpu.wait_dma2 semaphore(%run_scoped3A_373 : memref<!tpu.dma_semaphore, #tpu.memory_space<semaphore_mem>>) src(%dma_wait3A_381 : memref<512xf32, #tpu.memory_space<vmem_shared>>) dst(%dma_wait3A_380 : memref<512xf32, #tpu.memory_space<hbm>>)
      tpu.yield
    }) : () -> ()
    return
  }
}

module attributes {stable_mosaic.version = 14 : i64} {
  func.func @_dist_argmin_body(%arg0: i32, %arg1: memref<512x256xf32, #tpu.memory_space<vmem>>, %arg2: memref<256x8192xf32, #tpu.memory_space<vmem>>, %arg3: memref<1x1x512xi32, #tpu.memory_space<vmem>>, %arg4: memref<512x256xf32, #tpu.memory_space<vmem>>, %arg5: memref<1x8192xf32, #tpu.memory_space<vmem>>) attributes {dimension_semantics = [#tpu.dimension_semantics<arbitrary>], iteration_bounds = array<i64: 16>, scalar_prefetch = 0 : i64, scratch_operands = 1 : i64, tpu.core_type = #tpu.core_type<tc>, window_params = [{transform_indices = @transform_0, window_bounds = array<i64: 512, 256>}, {pipeline_mode = #tpu.pipeline_mode<synchronous>, transform_indices = @transform_1, window_bounds = array<i64: 256, 8192>}, {transform_indices = @transform_2, window_bounds = array<i64: 1, 1, 512>}, {transform_indices = @transform_3, window_bounds = array<i64: 512, 256>}]} {
    %get3A = arith.constant 0 : index
    %get3A_0 = arith.constant 0 : index
    %get3A_1 = vector.load %arg1[%get3A, %get3A_0] : memref<512x256xf32, #tpu.memory_space<vmem>>, vector<512x256xf32>
    %get3A_2 = arith.constant 0 : index
    %get3A_3 = arith.constant 0 : index
    %get3A_4 = vector.load %arg2[%get3A_2, %get3A_3] : memref<256x8192xf32, #tpu.memory_space<vmem>>, vector<256x8192xf32>
    %mul3A = arith.constant 512 : i32
    %mul3A_5 = arith.muli %arg0, %mul3A : i32
    %get3A_6 = arith.constant 0 : index
    %get3A_7 = arith.index_cast %mul3A_5 : i32 to index
    %get3A_8 = vector.load %arg2[%get3A_6, %get3A_7] : memref<256x8192xf32, #tpu.memory_space<vmem>>, vector<256x512xf32>
    %transpose3A = tpu.transpose %get3A_8, [1, 0] : vector<256x512xf32> -> vector<512x256xf32>
    %swap3A = arith.constant 0 : index
    %swap3A_9 = arith.constant 0 : index
    %swap3A_10 = vector.load %arg4[%swap3A, %swap3A_9] : memref<512x256xf32, #tpu.memory_space<vmem>>, vector<512x256xf32>
    tpu.vector_store %arg4[%swap3A, %swap3A_9], %transpose3A {strides = array<i32>} : memref<512x256xf32, #tpu.memory_space<vmem>>, vector<512x256xf32>,
    %eq3A = arith.constant 0 : i32
    %eq3A_11 = arith.cmpi eq, %arg0, %eq3A : i32
    %convert_element_type3A = arith.extui %eq3A_11 : i1 to i32
    %cond3A = arith.constant 0 : i32
    %cond3A_12 = arith.cmpi ne, %convert_element_type3A, %cond3A : i32
    scf.if %cond3A_12 {
      %mul3A_41 = arith.mulf %get3A_4, %get3A_4 : vector<256x8192xf32>
      %reduce_sum3A_42 = arith.constant dense<0.000000e+00> : vector<8192xf32>
      %reduce_sum3A_43 = vector.multi_reduction <add>, %mul3A_41, %reduce_sum3A_42 [0] : vector<256x8192xf32> to vector<8192xf32>
      %broadcast_in_dim3A_44 = vector.shape_cast %reduce_sum3A_43 : vector<8192xf32> to vector<1x8192xf32>
      %swap3A_45 = arith.constant 0 : index
      %swap3A_46 = arith.constant 0 : index
      %swap3A_47 = vector.load %arg5[%swap3A_45, %swap3A_46] : memref<1x8192xf32, #tpu.memory_space<vmem>>, vector<1x8192xf32>
      tpu.vector_store %arg5[%swap3A_45, %swap3A_46], %broadcast_in_dim3A_44 {strides = array<i32>} : memref<1x8192xf32, #tpu.memory_space<vmem>>, vector<1x8192xf32>,
    } else {
    }
    %mul3A_13 = arith.mulf %get3A_1, %get3A_1 : vector<512x256xf32>
    %reduce_sum3A = arith.constant dense<0.000000e+00> : vector<512xf32>
    %reduce_sum3A_14 = vector.multi_reduction <add>, %mul3A_13, %reduce_sum3A [1] : vector<512x256xf32> to vector<512xf32>
    %broadcast_in_dim3A = vector.shape_cast %reduce_sum3A_14 : vector<512xf32> to vector<512x1xf32>
    %get3A_15 = arith.constant 0 : index
    %get3A_16 = arith.constant 0 : index
    %get3A_17 = vector.load %arg5[%get3A_15, %get3A_16] : memref<1x8192xf32, #tpu.memory_space<vmem>>, vector<1x8192xf32>
    %mul3A_18 = arith.constant 2.000000e+00 : f32
    %mul3A_19 = vector.broadcast %mul3A_18 : f32 to vector<512x256xf32>
    %mul3A_20 = arith.mulf %get3A_1, %mul3A_19 : vector<512x256xf32>
    %dot_general3A = arith.constant dense<0.000000e+00> : vector<512x8192xf32>
    %dot_general3A_21 = tpu.matmul %mul3A_20, %get3A_4, %dot_general3A {dimension_numbers = #tpu.dot_dimension_numbers<[1], [0], [0], [1], [0, 0, 1, 1], [], []>, transpose_lhs_hint = false} : vector<512x256xf32>, vector<256x8192xf32>, vector<512x8192xf32> -> vector<512x8192xf32>
    %sub3A = vector.broadcast %broadcast_in_dim3A : vector<512x1xf32> to vector<512x8192xf32>
    %sub3A_22 = arith.subf %sub3A, %dot_general3A_21 : vector<512x8192xf32>
    %add3A = vector.broadcast %get3A_17 : vector<1x8192xf32> to vector<512x8192xf32>
    %add3A_23 = arith.addf %sub3A_22, %add3A : vector<512x8192xf32>
    %reduce_min3A = arith.constant dense<0x7F800000> : vector<512xf32>
    %reduce_min3A_24 = vector.multi_reduction <minimumf>, %add3A_23, %reduce_min3A [1] : vector<512x8192xf32> to vector<512xf32>
    %broadcast_in_dim3A_25 = vector.shape_cast %reduce_min3A_24 : vector<512xf32> to vector<512x1xf32>
    %iota3A = tpu.iota {dimensions = array<i32: 1>} : vector<1x8192xi32>
    %convert_element_type3A_26 = arith.sitofp %iota3A : vector<1x8192xi32> to vector<1x8192xf32>
    %eq3A_27 = vector.broadcast %broadcast_in_dim3A_25 : vector<512x1xf32> to vector<512x8192xf32>
    %eq3A_28 = arith.cmpf oeq, %add3A_23, %eq3A_27 : vector<512x8192xf32>
    %jit3A = arith.constant 1.000000e+09 : f32
    %broadcast_in_dim3A_29 = vector.shape_cast %convert_element_type3A_26 : vector<1x8192xf32> to vector<1x8192xf32>
    %broadcast_in_dim3A_30 = vector.broadcast %broadcast_in_dim3A_29 : vector<1x8192xf32> to vector<512x8192xf32>
    %broadcast_in_dim3A_31 = vector.broadcast %jit3A : f32 to vector<512x8192xf32>
    %select_n3A = arith.select %eq3A_28, %broadcast_in_dim3A_30, %broadcast_in_dim3A_31 : vector<512x8192xi1>, vector<512x8192xf32>
    %reduce_min3A_32 = arith.constant dense<0x7F800000> : vector<512xf32>
    %reduce_min3A_33 = vector.multi_reduction <minimumf>, %select_n3A, %reduce_min3A_32 [1] : vector<512x8192xf32> to vector<512xf32>
    %broadcast_in_dim3A_34 = vector.shape_cast %reduce_min3A_33 : vector<512xf32> to vector<512x1xf32>
    %convert_element_type3A_35 = arith.fptosi %broadcast_in_dim3A_34 : vector<512x1xf32> to vector<512x1xi32>
    %transpose3A_36 = tpu.transpose %convert_element_type3A_35, [1, 0] : vector<512x1xi32> -> vector<1x512xi32>
    %reshape3A = vector.shape_cast %transpose3A_36 : vector<1x512xi32> to vector<1x1x512xi32>
    %swap3A_37 = arith.constant 0 : index
    %swap3A_38 = arith.constant 0 : index
    %swap3A_39 = arith.constant 0 : index
    %swap3A_40 = vector.load %arg3[%swap3A_37, %swap3A_38, %swap3A_39] : memref<1x1x512xi32, #tpu.memory_space<vmem>>, vector<1x1x512xi32>
    tpu.vector_store %arg3[%swap3A_37, %swap3A_38, %swap3A_39], %reshape3A {strides = array<i32>} : memref<1x1x512xi32, #tpu.memory_space<vmem>>, vector<1x1x512xi32>,
    return
  }
  func.func @transform_0(%arg0: i32) -> (i32, i32) {
    %c0_i32 = arith.constant 0 : i32
    %c0_i32_0 = arith.constant 0 : i32
    return %arg0, %c0_i32 : i32, i32
  }
  func.func @transform_1(%arg0: i32) -> (i32, i32) {
    %c0_i32 = arith.constant 0 : i32
    %c0_i32_0 = arith.constant 0 : i32
    %c0_i32_1 = arith.constant 0 : i32
    return %c0_i32, %c0_i32_0 : i32, i32
  }
  func.func @transform_2(%arg0: i32) -> (i32, i32, i32) {
    %c0_i32 = arith.constant 0 : i32
    %c0_i32_0 = arith.constant 0 : i32
    %c0_i32_1 = arith.constant 0 : i32
    return %arg0, %c0_i32, %c0_i32_0 : i32, i32, i32
  }
  func.func @transform_3(%arg0: i32) -> (i32, i32) {
    %c0_i32 = arith.constant 0 : i32
    %c0_i32_0 = arith.constant 0 : i32
    return %arg0, %c0_i32 : i32, i32
  }
}

module attributes {stable_mosaic.version = 14 : i64} {
  func.func @_loss_body(%arg0: memref<2x16x512xf32, #tpu.memory_space<vmem>>, %arg1: memref<16x512xf32, #tpu.memory_space<vmem>>, %arg2: memref<1x1xf32, #tpu.memory_space<vmem>>) attributes {dimension_semantics = [], scalar_prefetch = 0 : i64, scratch_operands = 0 : i64, tpu.core_type = #tpu.core_type<tc>} {
    %get3A = arith.constant 0 : index
    %get3A_0 = arith.constant 0 : index
    %get3A_1 = arith.constant 0 : index
    %get3A_2 = vector.load %arg0[%get3A, %get3A_0, %get3A_1] : memref<2x16x512xf32, #tpu.memory_space<vmem>>, vector<2x16x512xf32>
    %slice3A = vector.extract_strided_slice %get3A_2 {offsets = [0, 0, 0], sizes = [1, 16, 512], strides = [1, 1, 1]} : vector<2x16x512xf32> to vector<1x16x512xf32>
    %squeeze3A = vector.shape_cast %slice3A : vector<1x16x512xf32> to vector<16x512xf32>
    %slice3A_3 = vector.extract_strided_slice %get3A_2 {offsets = [1, 0, 0], sizes = [1, 16, 512], strides = [1, 1, 1]} : vector<2x16x512xf32> to vector<1x16x512xf32>
    %squeeze3A_4 = vector.shape_cast %slice3A_3 : vector<1x16x512xf32> to vector<16x512xf32>
    %add3A = arith.addf %squeeze3A, %squeeze3A_4 : vector<16x512xf32>
    %mul3A = arith.constant 1.22070313E-4 : f32
    %mul3A_5 = vector.broadcast %mul3A : f32 to vector<16x512xf32>
    %mul3A_6 = arith.mulf %add3A, %mul3A_5 : vector<16x512xf32>
    %swap3A = arith.constant 0 : index
    %swap3A_7 = arith.constant 0 : index
    %swap3A_8 = vector.load %arg1[%swap3A, %swap3A_7] : memref<16x512xf32, #tpu.memory_space<vmem>>, vector<16x512xf32>
    tpu.vector_store %arg1[%swap3A, %swap3A_7], %mul3A_6 {strides = array<i32>} : memref<16x512xf32, #tpu.memory_space<vmem>>, vector<16x512xf32>,
    %add3A_9 = arith.constant 1.000000e-10 : f32
    %add3A_10 = vector.broadcast %add3A_9 : f32 to vector<16x512xf32>
    %add3A_11 = arith.addf %mul3A_6, %add3A_10 : vector<16x512xf32>
    %log3A = math.log %add3A_11 : vector<16x512xf32>
    %log3A_12 = arith.constant 1.22070313E-4 : f32
    %log3A_13 = math.log %log3A_12 : f32
    %sub3A = vector.broadcast %log3A_13 : f32 to vector<16x512xf32>
    %sub3A_14 = arith.subf %sub3A, %log3A : vector<16x512xf32>
    %mul3A_15 = arith.constant 1.22070313E-4 : f32
    %mul3A_16 = vector.broadcast %mul3A_15 : f32 to vector<16x512xf32>
    %mul3A_17 = arith.mulf %mul3A_16, %sub3A_14 : vector<16x512xf32>
    %reduce_sum3A = vector.shape_cast %mul3A_17 : vector<16x512xf32> to vector<1x16x512xf32>
    %reduce_sum3A_18 = arith.constant dense<0.000000e+00> : vector<1xf32>
    %reduce_sum3A_19 = vector.multi_reduction <add>, %reduce_sum3A, %reduce_sum3A_18 [1, 2] : vector<1x16x512xf32> to vector<1xf32>
    %reduce_sum3A_20 = vector.shape_cast %reduce_sum3A_19 : vector<1xf32> to vector<1x1x1xf32>
    %reduce_sum3A_21 = vector.extract %reduce_sum3A_20[0, 0, 0] : f32 from vector<1x1x1xf32>
    %div3A = arith.constant 8.192000e+03 : f32
    %div3A_22 = arith.divf %reduce_sum3A_21, %div3A : f32
    %mul3A_23 = arith.constant 2.500000e-01 : f32
    %mul3A_24 = arith.mulf %div3A_22, %mul3A_23 : f32
    %reshape3A = vector.broadcast %mul3A_24 : f32 to vector<1x1xf32>
    %swap3A_25 = arith.constant 0 : index
    %swap3A_26 = arith.constant 0 : index
    %swap3A_27 = vector.load %arg2[%swap3A_25, %swap3A_26] : memref<1x1xf32, #tpu.memory_space<vmem>>, vector<1x1xf32>
    tpu.vector_store %arg2[%swap3A_25, %swap3A_26], %reshape3A {strides = array<i32>} : memref<1x1xf32, #tpu.memory_space<vmem>>, vector<1x1xf32>,
    return
  }
}

</mosaic_0001>

<sc_bundles>
// kernel: kernel.5.cloned.1.call-start
scs
__scs_entry_jumppad:
0x0: {  	(pc) =	sbr.rel $0x88, $3  }
0x1: {  	(tag) =	ssettag $0x0;
	lr =	simm.s32 $0x1  }
0x2: {  	[smem:$0x3F9F] =	sst lr;
	_ =	strace $0xD0000000  }
0x3: {  	_ = 	snop  }
0x4: {  	_ = 	snop  }
0x5: {  	_ = 	snop  }
0x6: {  	_ = 	snop  }
0x7: {  	_ = 	snop  }
__scs_overlays_trampoline_lowered:
0x8: {  	[smem:$0x3FAE] =	sst s0  }
0x9: {  	[smem:$0x3FAF] =	sst s1  }
0xa: {  	[smem:$0x3FB0] =	sst s2  }
0xb: {  	[smem:$0x3FB1] =	sst s3  }
0xc: {  	[smem:$0x3FB2] =	sst s4  }
0xd: {  	[smem:$0x3FB3] =	sst s5  }
0xe: {  	[smem:$0x3FB4] =	sst s6  }
0xf: {  	[smem:$0x3FB5] =	sst s7  }
0x10: {  	[smem:$0x3FB6] =	sst s8  }
0x11: {  	[smem:$0x3FB7] =	sst s9;
	s0 =	simm.s32 @!p0 $0x0  }
0x12: {  	s1 =	sld [smem:$0x3F9D];
	s0 =	simm.s32 @p0 $0x1  }
0x13: {  	[smem:$0x3FB8] =	sst s0;
	s0 =	simm.s32 @!p1 $0x0  }
0x14: {  	s2 =	sld [smem:$0x3F9C];
	s0 =	simm.s32 @p1 $0x1  }
0x15: {  	[smem:$0x3FB9] =	sst s0;
	s0 =	simm.s32 @!p2 $0x0  }
0x16: {  	s3 =	sld [smem:$0x3FDB];
	s0 =	simm.s32 @p2 $0x1  }
0x17: {  	s4 =	simm.s32 $0x1BF5;
	[smem:$0x3FBB] =	sst s0  }
0x18: {  	s0 =	sld [smem:$0x3F9E];
	_ =	swait.ge [sflag:s4], $0x0  }
0x19: {  	s7 =	sld [smem:$0x3F9F]  }
0x1a: {  	s8 =	sadd.s32 $0xFFFFE003, lr  }
0x1b: {  	s9 =	sadd.s32 $0xFFFFFEF7, lr;
	s5 =	simm.s32 $0xFFFFFFFF;
	p2 =	slt.u32 s8, $0xFFFFF086  }
0x1c: {  	p1 =	slt.u32 s9, $0xF7A;
	s5 =	simm.s32 @!p2 $0x0  }
0x1d: {  	s5 =	simm.s32 @p1 $0x1;
	p0 =	seq.s32 s7, s2  }
0x1e: {  	s7 =	smul.u32 @!p0 $0xF7A, s2;
	p2 =	seq.s32 @!p0 s5, $0x0  }
0x1f: {  	s9 =	smul.u32 $0xF7A, s1;
	s8 =	simm.s32 @!p0 $0x1BF5;
	p2 =	por !p2, p0  }
0x20: {  	[sflag:s8] =	ssyncset.s32 @!p0 $0xFFFFF086;
	s6 =	sadd.s32 @!p0 s3, s7;
	s7 =	simm.s32 @!p0 $0x108  }
0x21: {  	s3 =	sadd.s32 s3, s9;
	s6 =	sadd.s32 @!p0 $0x88, s6;
	s7 =	simm.s32 @p2 $0x1082  }
0x22: {  	[simem:s7], [sflag:s8] =	dma.local @!p0 [hbm:s6], $0xF7A  }
0x23: {  	s9 =	sor.u32 $0xD0000000, s2;
	s6 =	simm.s32 $0x108;
	_ =	swait.ge @!p0 [sflag:s8], $0x0  }
0x24: {  	s3 =	sadd.s32 $0x88, s3;
	s6 =	simm.s32 @!p1 $0x1082;
	[sflag:s4] =	ssyncset.s32 $0xFFFFF086  }
0x25: {  	[simem:s6], [sflag:s4] =	dma.local [hbm:s3], $0xF7A  }
0x26: {  	[smem:$0x3F9F] =	sst s1;
	(tag) =	ssettag s2;
	_ =	strace s9  }
0x27: {  	s1 =	sld [smem:$0x3FAF]  }
0x28: {  	s2 =	sld [smem:$0x3FB0]  }
0x29: {  	s4 =	sld [smem:$0x3FB2]  }
0x2a: {  	p0 =	seq.s32 s5, $0x0;
	s5 =	sld [smem:$0x3FB3]  }
0x2b: {  	s6 =	sld [smem:$0x3FB4]  }
0x2c: {  	s7 =	sld [smem:$0x3FB5]  }
0x2d: {  	s3 =	simm.s32 $0x108;
	s8 =	sld [smem:$0x3FB6]  }
0x2e: {  	s3 =	simm.s32 @!p0 $0x1082;
	s9 =	sld [smem:$0x3FB7]  }
0x2f: {  	lr =	sadd.s32 s0, s3;
	s0 =	sld [smem:$0x3FAE]  }
0x30: {  	s3 =	sld [smem:$0x3FB1]  }
0x31: {  	[smem:$0x3FBA] =	sst s10  }
0x32: {  	s10 =	sld [smem:$0x3FB8];
	_ =	sdelay $0x3  }
0x33: {  	p0 =	seq.s32 s10, $0x1;
	s10 =	sld [smem:$0x3FBA];
	_ =	sdelay $0x3  }
0x34: {  	[smem:$0x3FBA] =	sst s10  }
0x35: {  	s10 =	sld [smem:$0x3FB9];
	_ =	sdelay $0x3  }
0x36: {  	p1 =	seq.s32 s10, $0x1;
	s10 =	sld [smem:$0x3FBA];
	_ =	sdelay $0x3  }
0x37: {  	[smem:$0x3FBA] =	sst s10  }
0x38: {  	s10 =	sld [smem:$0x3FBB]  }
0x39: {  	_ = 	snop;
	(pc) =	sbr.ind lr, $3  }
0x3a: {  	_ = 	snop  }
0x3b: {  	_ = 	snop  }
0x3c: {  	p2 =	seq.s32 s10, $0x1;
	s10 =	sld [smem:$0x3FBA]  }
0x3d: {  	_ =	shalt  }
0x3e: {  	_ =	shalt  }
0x3f: {  	_ =	shalt  }
0x40: {  	_ =	shalt  }
0x41: {  	_ =	shalt  }
0x42: {  	_ =	shalt  }
0x43: {  	_ =	shalt  }
0x44: {  	_ =	shalt  }
0x45: {  	_ =	shalt  }
0x46: {  	_ =	shalt  }
0x47: {  	_ =	shalt  }
0x48: {  	_ =	shalt  }
0x49: {  	_ =	shalt  }
0x4a: {  	_ =	shalt  }
0x4b: {  	_ =	shalt  }
0x4c: {  	_ =	shalt  }
0x4d: {  	_ =	shalt  }
0x4e: {  	_ =	shalt  }
0x4f: {  	_ =	shalt  }
0x50: {  	_ =	shalt  }
0x51: {  	_ =	shalt  }
0x52: {  	_ =	shalt  }
0x53: {  	_ =	shalt  }
0x54: {  	_ =	shalt  }
0x55: {  	_ =	shalt  }
0x56: {  	_ =	shalt  }
0x57: {  	_ =	shalt  }
0x58: {  	_ =	shalt  }
0x59: {  	_ =	shalt  }
0x5a: {  	_ =	shalt  }
0x5b: {  	_ =	shalt  }
0x5c: {  	_ =	shalt  }
0x5d: {  	_ =	shalt  }
0x5e: {  	_ =	shalt  }
0x5f: {  	_ =	shalt  }
0x60: {  	_ =	shalt  }
0x61: {  	_ =	shalt  }
0x62: {  	_ =	shalt  }
0x63: {  	_ =	shalt  }
0x64: {  	_ =	shalt  }
0x65: {  	_ =	shalt  }
0x66: {  	_ =	shalt  }
0x67: {  	_ =	shalt  }
0x68: {  	_ =	shalt  }
0x69: {  	_ =	shalt  }
0x6a: {  	_ =	shalt  }
0x6b: {  	_ =	shalt  }
0x6c: {  	_ =	shalt  }
0x6d: {  	_ =	shalt  }
0x6e: {  	_ =	shalt  }
0x6f: {  	_ =	shalt  }
0x70: {  	_ =	shalt  }
0x71: {  	_ =	shalt  }
0x72: {  	_ =	shalt  }
0x73: {  	_ =	shalt  }
0x74: {  	_ =	shalt  }
0x75: {  	_ =	shalt  }
0x76: {  	_ =	shalt  }
0x77: {  	_ =	shalt  }
0x78: {  	_ =	shalt  }
0x79: {  	_ =	shalt  }
0x7a: {  	_ =	shalt  }
0x7b: {  	_ =	shalt  }
0x7c: {  	_ =	shalt  }
0x7d: {  	_ =	shalt  }
0x7e: {  	_ =	shalt  }
0x7f: {  	_ =	shalt  }
0x80: {  	_ =	shalt  }
0x81: {  	_ =	shalt  }
0x82: {  	_ =	shalt  }
0x83: {  	_ =	shalt  }
0x84: {  	_ =	shalt  }
0x85: {  	_ =	shalt  }
0x86: {  	_ =	shalt  }
0x87: {  	_ =	shalt  }
.Lfunc_end0:
.L_simem_size_0:
called_computation_lowered:
.L_overlay_start_0:
0x88: {  	s2 =	sld [smem:$0x3FD9]  }
0x89: {  	s3 =	sld [smem:$0x3FFE];
	_ =	sdelay $0x1  }
0x8a: {  	s1 =	srdreg.scid  }
0x8b: {  	s0 =	sand.u32 $0x1, s1  }
0x8c: {  	s14 =	sshll.u32 s0, $0xA;
	s2 =	sadd.s32 s3, s2  }
0x8d: {  	s2 =	sadd.s32 s2, s14  }
0x8e: {  	[smem:$0x3FC6] =	sst s2  }
0x8f: {  	_ = 	snop  }
0x90: {  	s2 =	sld [smem:$0x3FD0];
	_ =	sdelay $0x2  }
0x91: {  	s15 =	simm.s32 $0xA;
	s4 =	simm.s32 $0x10  }
0x92: {  	[smem:s4], [sflag:s15] =	dma.local [hbm:s2], $0x1  }
0x93: {  	_ =	swait.eq [sflag:s15], $0x1  }
0x94: {  	s16 =	sld [smem:$0x10];
	[sflag:s15] =	ssyncset.done $0x0  }
0x95: {  	s17 =	sld [smem:$0x12];
	[sflag:s15] =	ssyncadd.s32 $0xFFFFFFFF  }
0x96: {  	s18 =	sld [smem:$0x13];
	(tm) =	ssettm $0x1  }
0x97: {  	s5 =	sld [smem:$0x3FFB];
	_ =	sdelay $0x3  }
0x98: {  	_ =	strace s5  }
0x99: {  	s5 =	sld [smem:$0x3FFC];
	_ =	sdelay $0x3  }
0x9a: {  	_ =	strace s5  }
0x9b: {  	s5 =	sld [smem:$0x3FFD];
	_ =	sdelay $0x3  }
0x9c: {  	_ =	strace s5  }
0x9d: {  	_ =	strace $0x8FFFFFFF  }
0x9e: {  	s19 =	sld [smem:$0x3FDB];
	_ =	sdelay $0x1  }
0x9f: {  	s6 =	simm.s32 $_scs_section_size  }
0xa0: {  	s7 =	simm.s32 $_size__tile_overlayer_lowered;
	s8 =	simm.s32 $_tile_overlayer_lowered  }
0xa1: {  	s22 =	simm.s32 $0x1BFF;
	s21 =	sshll.u32 s8, $0x1;
	s5 =	sadd.s32 s6, s19  }
0xa2: {  	s9 =	simm.s32 $0x0;
	s20 =	sshll.u32 s7, $0x1;
	s7 =	sadd.s32 s21, s5  }
0xa3: {  	[timem:s9], [sflag:s22] =	dma.local [hbm:s7], s20  }
0xa4: {  	_ =	swait.ge [sflag:s22], s20  }
0xa5: {  	s6 =	ssub.s32 $0x0, s20;
	[sflag:s22] =	ssyncset.done $0x0  }
0xa6: {  	[sflag:s22] =	ssyncadd.s32 s6;
	_ =	sdelay $0x1  }
0xa7: {  	s23 =	simm.s32 $0x1B8B  }
0xa8: {  	_ =	swait.ge [sflag:s23], $0x1  }
0xa9: {  	[sflag:s23] =	ssyncset.done $0x0  }
0xaa: {  	s25 =	simm.s32 $0x1B8E;
	s24 =	sld [smem:$0x3FFE];
	[sflag:s23] =	ssyncadd.s32 $0xFFFFFFFF  }
0xab: {  	s26 =	simm.s32 $execute0_lowered;
	[smem:$0x3FD2] =	sst s25  }
0xac: {  	s7 =	sshll.u32 s26, $0x1;
	_ =	strace $0x80000046;
	[dreg:$0x1] =	wrdreg $0xFFFFFFFF  }
0xad: {  	s28 =	simm.s32 $_size_execute0_lowered;
	s5 =	sadd.s32 s5, s7;
	[dreg:$0x0] =	wrdreg $0x0  }
0xae: {  	s7 =	sshll.u32 s28, $0x1;
	[dreg:$0x2] =	wrdreg s5  }
0xaf: {  	[dreg:$0x3] =	wrdreg s7  }
0xb0: {  	[dreg:$0x4] =	wrdreg $0xC0  }
0xb1: {  	_ =	task [dreg:s9], $0x5FFFF  }
0xb2: {  	[dreg:$0x1] =	wrdreg $0xFFFFFFFF  }
0xb3: {  	[dreg:$0x0] =	wrdreg $0x60  }
0xb4: {  	[dreg:$0x2] =	wrdreg s17  }
0xb5: {  	[dreg:$0x3] =	wrdreg s18  }
0xb6: {  	[dreg:$0x4] =	wrdreg s16  }
0xb7: {  	[dreg:$0x5] =	wrdreg s24  }
0xb8: {  	[dreg:$0x6] =	wrdreg $0x103800  }
0xb9: {  	[dreg:$0x7] =	wrdreg $0x9  }
0xba: {  	_ =	task.clear_ibuf [dreg:s9], $0x8FFFF;
	_ =	strace $0x90000046  }
0xbb: {  	s29 =	simm.s32 $0x9;
	_ =	strace $0x80000048  }
0xbc: {  	_ =	swait.ge [sflag:s29], $0x1  }
0xbd: {  	[sflag:s29] =	ssyncadd.s32 $0xFFFFFFFF  }
0xbe: {  	_ =	strace $0x90000048  }
0xbf: {  	_ =	sfence  }
0xc0: {  	s30 =	sld [smem:$0x0];
	_ =	sdelay $0x2  }
0xc1: {  	s31 =	sshll.u32 s1, $0xD;
	s1 =	sshrl.u32 s1, $0x2  }
0xc2: {  	s3 =	sand.u32 $0x4000, s31;
	s1 =	sadd.s32 s1, s30  }
0xc3: {  	s0 =	sor.u32 s3, s0;
	s1 =	sshll.u32 s1, $0x11  }
0xc4: {  	s0 =	sor.u32 s1, s0  }
0xc5: {  	s0 =	sadd.s32 $0x8F2B, s0  }
0xc6: {  	[sflag:s0] =	ssyncadd.remote.s32 $0x1  }
0xc7: {  	_ =	sfence.sel $0xFFFF  }
0xc8: {  	[dreg:$0x0] =	wrdreg $0xFFFFFFFF;
	(pc) =	sbr.abs _section_cstart, $3  }
0xc9: {  	[dreg:$0x1] =	wrdreg $0xFFFFFFFF  }
0xca: {  	_ =	task.clear_ibuf [dreg:s9], $0x2FFFF;
	_ =	strace $0x9FFFFFFF  }
0xcb: {  	(tm) =	ssettm $0x7FFFFFFF  }
tec
execute0_lowered:
.L_overlay_start_1:
0x0: {  	(tag) =	ssettag $0x1  }
0x1: {  	s1 =	srdreg.scid  }
0x2: {  	s0 =	stileid.u32;
	s5 =	rddreg [dreg:$0x1]  }
0x3: {  	s9 =	rddreg [dreg:$0x2];
	s7 =	sand.u32 $0x1, s1;
	s2 =	sshll.u32 s0, $0x1  }
0x4: {  	s6 =	rddreg [dreg:$0x3];
	s8 =	sor.u32 s7, s2  }
0x5: {  	s4 =	simm.s32 $0x1;
	p1 =	seq.s32 s7, $0x1;
	p0 =	seq.s32 s8, $0x0  }
0x6: {  	s3 =	rddreg [dreg:$0x4];
	s14 =	simm.s32 $0x2900;
	p0 =	por !p0, !p1  }
0x7: {  	s15 =	simm.s32 $0x3100;
	s16 =	simm.s32 $0x3900;
	p0 =	por !p0, !p0  }
0x8: {  	s18 =	simm.s32 $0x4100;
	s1 =	rddreg [dreg:$0x0];
	s4 =	simm.s32 @!p0 $0x0  }
0x9: {  	s8 =	sshll.u32 s8, $0xD;
	s10 =	ssub.s32 s0, s4;
	s4 =	simm.s32 $0x0  }
0xa: {  	s19 =	simm.s32 $0x4900;
	s8 =	sadd.s32 s9, s8;
	[smem:$0x7FF] =	sst s4  }
0xb: {  	s9 =	simm.s32 $0x10180;
	_ =	strace $0x80000047;
	[dreg:$0x7] =	wrdreg s8  }
0xc: {  	s20 =	simm.s32 $0x5100;
	s22 =	simm.s32 $0x5900;
	[dreg:$0x9] =	wrdreg s9  }
0xd: {  	s23 =	simm.s32 $0x6100;
	s24 =	simm.s32 $0x6900;
	[dreg:$0xe] =	wrdreg s14  }
0xe: {  	s25 =	simm.s32 $0x7100;
	s28 =	simm.s32 $0xF900;
	[dreg:$0xf] =	wrdreg s15  }
0xf: {  	s29 =	simm.s32 $0x10100;
	s30 =	simm.s32 $0x10;
	[dreg:$0x10] =	wrdreg s16  }
0x10: {  	s13 =	sshll.u32 s0, $0x4;
	s21 =	sshll.u32 s0, $0x9;
	[dreg:$0x11] =	wrdreg s18  }
0x11: {  	s11 =	sshll.u32 s7, $0x8;
	s26 =	sshll.u32 s7, $0xA;
	[dreg:$0x12] =	wrdreg s19  }
0x12: {  	s13 =	sand.u32 $0x70, s13;
	s7 =	ssub.s32 $0x2, s7;
	[dreg:$0x13] =	wrdreg s20  }
0x13: {  	s17 =	sshrl.u32 s7, $0x1;
	s10 =	sshll.u32 s10, $0x9;
	[dreg:$0x14] =	wrdreg s22  }
0x14: {  	s10 =	sor.u32 s11, s10;
	s11 =	sadd.s32 s26, s6;
	[dreg:$0x15] =	wrdreg s23  }
0x15: {  	s6 =	sshll.u32 s0, $0x6;
	s9 =	ssub.s32 s7, s17;
	[dreg:$0x16] =	wrdreg s24  }
0x16: {  	s7 =	simm.s32 $0x1;
	s8 =	sadd.s32 s21, s3;
	[dreg:$0x17] =	wrdreg s25  }
0x17: {  	s26 =	simm.s32 $0x7900;
	s14 =	simm.s32 $0x9100;
	s15 =	simm.s32 $0x9900  }
0x18: {  	s16 =	simm.s32 $0xA100;
	s17 =	simm.s32 $0xA900;
	s18 =	simm.s32 $0xB100  }
0x19: {  	s19 =	simm.s32 $0xB900;
	s20 =	simm.s32 $0xC100;
	s21 =	simm.s32 $0xC900  }
0x1a: {  	s22 =	simm.s32 $0xD100;
	s23 =	simm.s32 $0xD900;
	s24 =	simm.s32 $0xE100  }
0x1b: {  	s10 =	sshrl.u32 s10, $0x3;
	s12 =	sand.u32 $0x200, s6;
	[dreg:$0x18] =	wrdreg s26  }
0x1c: {  	s5 =	sadd.s32 s5, s10;
	s11 =	sadd.s32 s12, s11;
	s12 =	simm.s32 $0x1900  }
0x1d: {  	s25 =	simm.s32 $0xE900;
	s10 =	sadd.s32 $0x10, s5;
	[dreg:$0xc] =	wrdreg s12  }
0x1e: {  	s31 =	sadd.s32 s13, s11;
	s11 =	simm.s32 $0x1100;
	[dreg:$0x6] =	wrdreg s10  }
0x1f: {  	s9 =	smax.u32 s9, $0x1;
	s13 =	simm.s32 $0x2100;
	[dreg:$0xb] =	wrdreg s11  }
0x20: {  	s26 =	simm.s32 $0xF100;
	s2 =	sadd.s32 $0x1400, s31;
	[dreg:$0xd] =	wrdreg s13  }
0x21: {  	v3 =	vlaneseq.u32;
	v0 =	vimm.f32 $0.0e+00;
	s12 =	simm.s32 $0x100;
	s10 =	simm.s32 $0x900;
	[dreg:$0x8] =	wrdreg s2  }
0x22: {  	vm0 =	vmmov $0xffff;
	v4 =	vimm.f32 $1.000000000e+00;
	v2 =	vshrl.u32 v3, $0x3;
	s11 =	simm.s32 $0x80;
	s31 =	simm.s32 $0x8100;
	[dreg:$0xa] =	wrdreg s10  }
0x23: {  	v1 =	vand.u32 $0x7, v3;
	v3 =	vor.u32 $0x8, v3;
	v2 =	vmul.u32 $0x8, v2;
	s13 =	simm.s32 $0x8900;
	s10 =	simm.s32 $0x2;
	[dreg:$0x19] =	wrdreg s31  }
.LBB2_1:
0x24: {  	[tilespmem:s4], [sflag:$0x2] =	stream.linear.gather [hbm4b:s5+s4], $0x80, $0x38;
	[tilespmem:$0x10580] =	vst v63  }
0x25: {  	_ =	swait.ge [sflag:s10], $0x80  }
0x26: {  	[sflag:s10] =	ssyncset.done $0x0  }
0x27: {  	s31 =	rddreg [dreg:$0x6];
	[sflag:s10] =	ssyncadd.s32 $0xFFFFFF80  }
0x28: {  	[tilespmem:s11], [sflag:$0x2] =	stream.linear.gather [hbm4b:s31+s4], $0x80, $0x38;
	[tilespmem:$0x10580] =	vst v63  }
0x29: {  	_ =	swait.ge [sflag:s10], $0x80  }
0x2a: {  	[sflag:s10] =	ssyncset.done $0x0  }
0x2b: {  	[sflag:s10] =	ssyncadd.s32 $0xFFFFFF80  }
0x2c: {  	[tilespmem:$0x10180] =	vst v0  }
0x2d: {  	[tilespmem:$0x10190] =	vst v0  }
0x2e: {  	[tilespmem:$0x101A0] =	vst v0  }
0x2f: {  	[tilespmem:$0x101B0] =	vst v0  }
0x30: {  	[tilespmem:$0x101C0] =	vst v0  }
0x31: {  	[tilespmem:$0x101D0] =	vst v0  }
0x32: {  	[tilespmem:$0x101E0] =	vst v0  }
0x33: {  	[tilespmem:$0x101F0] =	vst v0  }
0x34: {  	[tilespmem:$0x10200] =	vst v0  }
0x35: {  	[tilespmem:$0x10210] =	vst v0  }
0x36: {  	[tilespmem:$0x10220] =	vst v0  }
0x37: {  	[tilespmem:$0x10230] =	vst v0  }
0x38: {  	[tilespmem:$0x10240] =	vst v0  }
0x39: {  	[tilespmem:$0x10250] =	vst v0  }
0x3a: {  	[tilespmem:$0x10260] =	vst v0  }
0x3b: {  	[tilespmem:$0x10270] =	vst v0  }
0x3c: {  	[tilespmem:$0x10280] =	vst v0  }
0x3d: {  	[tilespmem:$0x10290] =	vst v0  }
0x3e: {  	[tilespmem:$0x102A0] =	vst v0  }
0x3f: {  	[tilespmem:$0x102B0] =	vst v0  }
0x40: {  	[tilespmem:$0x102C0] =	vst v0  }
0x41: {  	[tilespmem:$0x102D0] =	vst v0  }
0x42: {  	[tilespmem:$0x102E0] =	vst v0  }
0x43: {  	[tilespmem:$0x102F0] =	vst v0  }
0x44: {  	[tilespmem:$0x10300] =	vst v0  }
0x45: {  	[tilespmem:$0x10310] =	vst v0  }
0x46: {  	[tilespmem:$0x10320] =	vst v0  }
0x47: {  	[tilespmem:$0x10330] =	vst v0  }
0x48: {  	[tilespmem:$0x10340] =	vst v0  }
0x49: {  	[tilespmem:$0x10350] =	vst v0  }
0x4a: {  	[tilespmem:$0x10360] =	vst v0  }
0x4b: {  	s0 =	rddreg [dreg:$0x9];
	[tilespmem:$0x10370] =	vst v0  }
0x4c: {  	[spmem:s8] =	stream.linear.scatter [tilespmem:s0], [sflag:$0x2], $0x200, $0x38;
	[tilespmem:$0x10580] =	vst v63  }
0x4d: {  	_ =	swait.ge [sflag:s10], $0x200  }
0x4e: {  	[sflag:s10] =	ssyncset.done $0x0  }
0x4f: {  	[sflag:s10] =	ssyncadd.s32 $0xFFFFFE00  }
0x50: {  	v5 =	vld [tilespmem:$0x0];
	_ =	sdelay $0x4  }
0x51: {  	v6 =	vshll.u32 v5, $0x1  }
0x52: {  	v5 =	vand.u32 $0x7, v5;
	v6 =	vand.u32 $0xFFFFFFF0, v6  }
0x53: {  	v5 =	vor.u32 v5, v6  }
0x54: {  	v6 =	vperm.xlane v5, v1;
	_ =	sdelay $0x1  }
0x55: {  	v5 =	vperm.xlane v5, v3;
	v6 =	vadd.s32 v2, v6;
	_ =	sdelay $0x1  }
0x56: {  	v5 =	vadd.s32 v2, v5;
	_ =	sdelay $0x2  }
0x57: {  	[tilespmem:s12], [sflag:$0x1] =	stream.indirect_vreg.gather [hbm4b:s1+s4], $0x80, v6, vm0, $0xb8;
	[tilespmem:$0x10580] =	vst v63  }
0x58: {  	s2 =	rddreg [dreg:$0xa]  }
0x59: {  	[tilespmem:s2], [sflag:$0x1] =	stream.indirect_vreg.gather [hbm4b:s1+s4], $0x80, v5, vm0, $0xb8;
	[tilespmem:$0x10580] =	vst v63  }
0x5a: {  	v5 =	vld [tilespmem:$0x10];
	_ =	sdelay $0x4  }
0x5b: {  	v6 =	vshll.u32 v5, $0x1  }
0x5c: {  	v5 =	vand.u32 $0x7, v5;
	v6 =	vand.u32 $0xFFFFFFF0, v6  }
0x5d: {  	v5 =	vor.u32 v5, v6  }
0x5e: {  	v6 =	vperm.xlane v5, v1;
	_ =	sdelay $0x1  }
0x5f: {  	v5 =	vperm.xlane v5, v3;
	v6 =	vadd.s32 v2, v6;
	_ =	sdelay $0x1  }
0x60: {  	v5 =	vadd.s32 v2, v5;
	_ =	sdelay $0x1  }
0x61: {  	s0 =	rddreg [dreg:$0xb]  }
0x62: {  	[tilespmem:s0], [sflag:$0x1] =	stream.indirect_vreg.gather [hbm4b:s1+s4], $0x80, v6, vm0, $0xb8;
	[tilespmem:$0x10580] =	vst v63  }
0x63: {  	s2 =	rddreg [dreg:$0xc]  }
0x64: {  	[tilespmem:s2], [sflag:$0x1] =	stream.indirect_vreg.gather [hbm4b:s1+s4], $0x80, v5, vm0, $0xb8;
	[tilespmem:$0x10580] =	vst v63  }
0x65: {  	v5 =	vld [tilespmem:$0x20];
	_ =	sdelay $0x4  }
0x66: {  	v6 =	vshll.u32 v5, $0x1  }
0x67: {  	v5 =	vand.u32 $0x7, v5;
	v6 =	vand.u32 $0xFFFFFFF0, v6  }
0x68: {  	v5 =	vor.u32 v5, v6  }
0x69: {  	v6 =	vperm.xlane v5, v1;
	_ =	sdelay $0x1  }
0x6a: {  	v5 =	vperm.xlane v5, v3;
	v6 =	vadd.s32 v2, v6;
	_ =	sdelay $0x1  }
0x6b: {  	v5 =	vadd.s32 v2, v5;
	_ =	sdelay $0x1  }
0x6c: {  	s2 =	rddreg [dreg:$0xd]  }
0x6d: {  	[tilespmem:s2], [sflag:$0x1] =	stream.indirect_vreg.gather [hbm4b:s1+s4], $0x80, v6, vm0, $0xb8;
	[tilespmem:$0x10580] =	vst v63  }
0x6e: {  	s0 =	rddreg [dreg:$0xe]  }
0x6f: {  	[tilespmem:s0], [sflag:$0x1] =	stream.indirect_vreg.gather [hbm4b:s1+s4], $0x80, v5, vm0, $0xb8;
	[tilespmem:$0x10580] =	vst v63  }
0x70: {  	v5 =	vld [tilespmem:$0x30];
	_ =	sdelay $0x4  }
0x71: {  	v6 =	vshll.u32 v5, $0x1  }
0x72: {  	v5 =	vand.u32 $0x7, v5;
	v6 =	vand.u32 $0xFFFFFFF0, v6  }
0x73: {  	v5 =	vor.u32 v5, v6  }
0x74: {  	v6 =	vperm.xlane v5, v1;
	_ =	sdelay $0x1  }
0x75: {  	v5 =	vperm.xlane v5, v3;
	v6 =	vadd.s32 v2, v6;
	_ =	sdelay $0x1  }
0x76: {  	v5 =	vadd.s32 v2, v5;
	_ =	sdelay $0x1  }
0x77: {  	s2 =	rddreg [dreg:$0xf]  }
0x78: {  	[tilespmem:s2], [sflag:$0x1] =	stream.indirect_vreg.gather [hbm4b:s1+s4], $0x80, v6, vm0, $0xb8;
	[tilespmem:$0x10580] =	vst v63  }
0x79: {  	s0 =	rddreg [dreg:$0x10]  }
0x7a: {  	[tilespmem:s0], [sflag:$0x1] =	stream.indirect_vreg.gather [hbm4b:s1+s4], $0x80, v5, vm0, $0xb8;
	[tilespmem:$0x10580] =	vst v63  }
0x7b: {  	v5 =	vld [tilespmem:$0x40];
	_ =	sdelay $0x4  }
0x7c: {  	v6 =	vshll.u32 v5, $0x1  }
0x7d: {  	v5 =	vand.u32 $0x7, v5;
	v6 =	vand.u32 $0xFFFFFFF0, v6  }
0x7e: {  	v5 =	vor.u32 v5, v6  }
0x7f: {  	v6 =	vperm.xlane v5, v1;
	_ =	sdelay $0x1  }
0x80: {  	v5 =	vperm.xlane v5, v3;
	v6 =	vadd.s32 v2, v6;
	_ =	sdelay $0x1  }
0x81: {  	v5 =	vadd.s32 v2, v5;
	_ =	sdelay $0x1  }
0x82: {  	s2 =	rddreg [dreg:$0x11]  }
0x83: {  	[tilespmem:s2], [sflag:$0x1] =	stream.indirect_vreg.gather [hbm4b:s1+s4], $0x80, v6, vm0, $0xb8;
	[tilespmem:$0x10580] =	vst v63  }
0x84: {  	s0 =	rddreg [dreg:$0x12]  }
0x85: {  	[tilespmem:s0], [sflag:$0x1] =	stream.indirect_vreg.gather [hbm4b:s1+s4], $0x80, v5, vm0, $0xb8;
	[tilespmem:$0x10580] =	vst v63  }
0x86: {  	v5 =	vld [tilespmem:$0x50];
	_ =	sdelay $0x4  }
0x87: {  	v6 =	vshll.u32 v5, $0x1  }
0x88: {  	v5 =	vand.u32 $0x7, v5;
	v6 =	vand.u32 $0xFFFFFFF0, v6  }
0x89: {  	v5 =	vor.u32 v5, v6  }
0x8a: {  	v6 =	vperm.xlane v5, v1;
	_ =	sdelay $0x1  }
0x8b: {  	v5 =	vperm.xlane v5, v3;
	v6 =	vadd.s32 v2, v6;
	_ =	sdelay $0x1  }
0x8c: {  	v5 =	vadd.s32 v2, v5;
	_ =	sdelay $0x1  }
0x8d: {  	s2 =	rddreg [dreg:$0x13]  }
0x8e: {  	[tilespmem:s2], [sflag:$0x1] =	stream.indirect_vreg.gather [hbm4b:s1+s4], $0x80, v6, vm0, $0xb8;
	[tilespmem:$0x10580] =	vst v63  }
0x8f: {  	s0 =	rddreg [dreg:$0x14]  }
0x90: {  	[tilespmem:s0], [sflag:$0x1] =	stream.indirect_vreg.gather [hbm4b:s1+s4], $0x80, v5, vm0, $0xb8;
	[tilespmem:$0x10580] =	vst v63  }
0x91: {  	v5 =	vld [tilespmem:$0x60];
	_ =	sdelay $0x4  }
0x92: {  	v6 =	vshll.u32 v5, $0x1  }
0x93: {  	v5 =	vand.u32 $0x7, v5;
	v6 =	vand.u32 $0xFFFFFFF0, v6  }
0x94: {  	v5 =	vor.u32 v5, v6  }
0x95: {  	v6 =	vperm.xlane v5, v1;
	_ =	sdelay $0x1  }
0x96: {  	v5 =	vperm.xlane v5, v3;
	v6 =	vadd.s32 v2, v6;
	_ =	sdelay $0x1  }
0x97: {  	v5 =	vadd.s32 v2, v5;
	_ =	sdelay $0x1  }
0x98: {  	s2 =	rddreg [dreg:$0x15]  }
0x99: {  	[tilespmem:s2], [sflag:$0x1] =	stream.indirect_vreg.gather [hbm4b:s1+s4], $0x80, v6, vm0, $0xb8;
	[tilespmem:$0x10580] =	vst v63  }
0x9a: {  	s0 =	rddreg [dreg:$0x16]  }
0x9b: {  	[tilespmem:s0], [sflag:$0x1] =	stream.indirect_vreg.gather [hbm4b:s1+s4], $0x80, v5, vm0, $0xb8;
	[tilespmem:$0x10580] =	vst v63  }
0x9c: {  	v5 =	vld [tilespmem:$0x70];
	_ =	sdelay $0x4  }
0x9d: {  	v6 =	vshll.u32 v5, $0x1  }
0x9e: {  	v5 =	vand.u32 $0x7, v5;
	v6 =	vand.u32 $0xFFFFFFF0, v6  }
0x9f: {  	v5 =	vor.u32 v5, v6  }
0xa0: {  	v6 =	vperm.xlane v5, v1;
	_ =	sdelay $0x1  }
0xa1: {  	v5 =	vperm.xlane v5, v3;
	v6 =	vadd.s32 v2, v6;
	_ =	sdelay $0x1  }
0xa2: {  	v5 =	vadd.s32 v2, v5;
	_ =	sdelay $0x1  }
0xa3: {  	s2 =	rddreg [dreg:$0x17]  }
0xa4: {  	[tilespmem:s2], [sflag:$0x1] =	stream.indirect_vreg.gather [hbm4b:s1+s4], $0x80, v6, vm0, $0xb8;
	[tilespmem:$0x10580] =	vst v63  }
0xa5: {  	s0 =	rddreg [dreg:$0x18]  }
0xa6: {  	[tilespmem:s0], [sflag:$0x1] =	stream.indirect_vreg.gather [hbm4b:s1+s4], $0x80, v5, vm0, $0xb8;
	[tilespmem:$0x10580] =	vst v63  }
0xa7: {  	v5 =	vld [tilespmem:$0x80];
	_ =	sdelay $0x4  }
0xa8: {  	v6 =	vshll.u32 v5, $0x1  }
0xa9: {  	v5 =	vand.u32 $0x7, v5;
	v6 =	vand.u32 $0xFFFFFFF0, v6  }
0xaa: {  	v5 =	vor.u32 v5, v6  }
0xab: {  	v6 =	vperm.xlane v5, v1;
	_ =	sdelay $0x1  }
0xac: {  	v5 =	vperm.xlane v5, v3;
	v6 =	vadd.s32 v2, v6;
	_ =	sdelay $0x1  }
0xad: {  	v5 =	vadd.s32 v2, v5;
	_ =	sdelay $0x1  }
0xae: {  	s0 =	rddreg [dreg:$0x19]  }
0xaf: {  	[tilespmem:s0], [sflag:$0x1] =	stream.indirect_vreg.gather [hbm4b:s1+s4], $0x80, v6, vm0, $0xb8;
	[tilespmem:$0x10580] =	vst v63  }
0xb0: {  	_ = 	snop  }
0xb1: {  	[tilespmem:s13], [sflag:$0x1] =	stream.indirect_vreg.gather [hbm4b:s1+s4], $0x80, v5, vm0, $0xb8;
	[tilespmem:$0x10580] =	vst v63  }
0xb2: {  	v5 =	vld [tilespmem:$0x90];
	_ =	sdelay $0x4  }
0xb3: {  	v6 =	vshll.u32 v5, $0x1  }
0xb4: {  	v5 =	vand.u32 $0x7, v5;
	v6 =	vand.u32 $0xFFFFFFF0, v6  }
0xb5: {  	v5 =	vor.u32 v5, v6  }
0xb6: {  	v6 =	vperm.xlane v5, v1;
	_ =	sdelay $0x1  }
0xb7: {  	v5 =	vperm.xlane v5, v3;
	v6 =	vadd.s32 v2, v6;
	_ =	sdelay $0x1  }
0xb8: {  	v5 =	vadd.s32 v2, v5;
	_ =	sdelay $0x2  }
0xb9: {  	[tilespmem:s14], [sflag:$0x1] =	stream.indirect_vreg.gather [hbm4b:s1+s4], $0x80, v6, vm0, $0xb8;
	[tilespmem:$0x10580] =	vst v63  }
0xba: {  	_ = 	snop  }
0xbb: {  	[tilespmem:s15], [sflag:$0x1] =	stream.indirect_vreg.gather [hbm4b:s1+s4], $0x80, v5, vm0, $0xb8;
	[tilespmem:$0x10580] =	vst v63  }
0xbc: {  	v5 =	vld [tilespmem:$0xA0];
	_ =	sdelay $0x4  }
0xbd: {  	v6 =	vshll.u32 v5, $0x1  }
0xbe: {  	v5 =	vand.u32 $0x7, v5;
	v6 =	vand.u32 $0xFFFFFFF0, v6  }
0xbf: {  	v5 =	vor.u32 v5, v6  }
0xc0: {  	v6 =	vperm.xlane v5, v1;
	_ =	sdelay $0x1  }
0xc1: {  	v5 =	vperm.xlane v5, v3;
	v6 =	vadd.s32 v2, v6;
	_ =	sdelay $0x1  }
0xc2: {  	v5 =	vadd.s32 v2, v5;
	_ =	sdelay $0x2  }
0xc3: {  	[tilespmem:s16], [sflag:$0x1] =	stream.indirect_vreg.gather [hbm4b:s1+s4], $0x80, v6, vm0, $0xb8;
	[tilespmem:$0x10580] =	vst v63  }
0xc4: {  	_ = 	snop  }
0xc5: {  	[tilespmem:s17], [sflag:$0x1] =	stream.indirect_vreg.gather [hbm4b:s1+s4], $0x80, v5, vm0, $0xb8;
	[tilespmem:$0x10580] =	vst v63  }
0xc6: {  	v5 =	vld [tilespmem:$0xB0];
	_ =	sdelay $0x4  }
0xc7: {  	v6 =	vshll.u32 v5, $0x1  }
0xc8: {  	v5 =	vand.u32 $0x7, v5;
	v6 =	vand.u32 $0xFFFFFFF0, v6  }
0xc9: {  	v5 =	vor.u32 v5, v6  }
0xca: {  	v6 =	vperm.xlane v5, v1;
	_ =	sdelay $0x1  }
0xcb: {  	v5 =	vperm.xlane v5, v3;
	v6 =	vadd.s32 v2, v6;
	_ =	sdelay $0x1  }
0xcc: {  	v5 =	vadd.s32 v2, v5;
	_ =	sdelay $0x2  }
0xcd: {  	[tilespmem:s18], [sflag:$0x1] =	stream.indirect_vreg.gather [hbm4b:s1+s4], $0x80, v6, vm0, $0xb8;
	[tilespmem:$0x10580] =	vst v63  }
0xce: {  	_ = 	snop  }
0xcf: {  	[tilespmem:s19], [sflag:$0x1] =	stream.indirect_vreg.gather [hbm4b:s1+s4], $0x80, v5, vm0, $0xb8;
	[tilespmem:$0x10580] =	vst v63  }
0xd0: {  	v5 =	vld [tilespmem:$0xC0];
	_ =	sdelay $0x4  }
0xd1: {  	v6 =	vshll.u32 v5, $0x1  }
0xd2: {  	v5 =	vand.u32 $0x7, v5;
	v6 =	vand.u32 $0xFFFFFFF0, v6  }
0xd3: {  	v5 =	vor.u32 v5, v6  }
0xd4: {  	v6 =	vperm.xlane v5, v1;
	_ =	sdelay $0x1  }
0xd5: {  	v5 =	vperm.xlane v5, v3;
	v6 =	vadd.s32 v2, v6;
	_ =	sdelay $0x1  }
0xd6: {  	v5 =	vadd.s32 v2, v5;
	_ =	sdelay $0x2  }
0xd7: {  	[tilespmem:s20], [sflag:$0x1] =	stream.indirect_vreg.gather [hbm4b:s1+s4], $0x80, v6, vm0, $0xb8;
	[tilespmem:$0x10580] =	vst v63  }
0xd8: {  	_ = 	snop  }
0xd9: {  	[tilespmem:s21], [sflag:$0x1] =	stream.indirect_vreg.gather [hbm4b:s1+s4], $0x80, v5, vm0, $0xb8;
	[tilespmem:$0x10580] =	vst v63  }
0xda: {  	v5 =	vld [tilespmem:$0xD0];
	_ =	sdelay $0x4  }
0xdb: {  	v6 =	vshll.u32 v5, $0x1  }
0xdc: {  	v5 =	vand.u32 $0x7, v5;
	v6 =	vand.u32 $0xFFFFFFF0, v6  }
0xdd: {  	v5 =	vor.u32 v5, v6  }
0xde: {  	v6 =	vperm.xlane v5, v1;
	_ =	sdelay $0x1  }
0xdf: {  	v5 =	vperm.xlane v5, v3;
	v6 =	vadd.s32 v2, v6;
	_ =	sdelay $0x1  }
0xe0: {  	v5 =	vadd.s32 v2, v5;
	_ =	sdelay $0x2  }
0xe1: {  	[tilespmem:s22], [sflag:$0x1] =	stream.indirect_vreg.gather [hbm4b:s1+s4], $0x80, v6, vm0, $0xb8;
	[tilespmem:$0x10580] =	vst v63  }
0xe2: {  	_ = 	snop  }
0xe3: {  	[tilespmem:s23], [sflag:$0x1] =	stream.indirect_vreg.gather [hbm4b:s1+s4], $0x80, v5, vm0, $0xb8;
	[tilespmem:$0x10580] =	vst v63  }
0xe4: {  	v5 =	vld [tilespmem:$0xE0];
	_ =	sdelay $0x4  }
0xe5: {  	v6 =	vshll.u32 v5, $0x1  }
0xe6: {  	v5 =	vand.u32 $0x7, v5;
	v6 =	vand.u32 $0xFFFFFFF0, v6  }
0xe7: {  	v5 =	vor.u32 v5, v6  }
0xe8: {  	v6 =	vperm.xlane v5, v1;
	_ =	sdelay $0x1  }
0xe9: {  	v5 =	vperm.xlane v5, v3;
	v6 =	vadd.s32 v2, v6;
	_ =	sdelay $0x1  }
0xea: {  	v5 =	vadd.s32 v2, v5;
	_ =	sdelay $0x2  }
0xeb: {  	[tilespmem:s24], [sflag:$0x1] =	stream.indirect_vreg.gather [hbm4b:s1+s4], $0x80, v6, vm0, $0xb8;
	[tilespmem:$0x10580] =	vst v63  }
0xec: {  	_ = 	snop  }
0xed: {  	[tilespmem:s25], [sflag:$0x1] =	stream.indirect_vreg.gather [hbm4b:s1+s4], $0x80, v5, vm0, $0xb8;
	[tilespmem:$0x10580] =	vst v63  }
0xee: {  	v5 =	vld [tilespmem:$0xF0];
	_ =	sdelay $0x4  }
0xef: {  	v6 =	vshll.u32 v5, $0x1  }
0xf0: {  	v5 =	vand.u32 $0x7, v5;
	v6 =	vand.u32 $0xFFFFFFF0, v6  }
0xf1: {  	v5 =	vor.u32 v5, v6  }
0xf2: {  	v6 =	vperm.xlane v5, v1;
	_ =	sdelay $0x1  }
0xf3: {  	v5 =	vperm.xlane v5, v3;
	v6 =	vadd.s32 v2, v6;
	_ =	sdelay $0x1  }
0xf4: {  	v5 =	vadd.s32 v2, v5;
	_ =	sdelay $0x2  }
0xf5: {  	[tilespmem:s26], [sflag:$0x1] =	stream.indirect_vreg.gather [hbm4b:s1+s4], $0x80, v6, vm0, $0xb8;
	[tilespmem:$0x10580] =	vst v63  }
0xf6: {  	_ = 	snop  }
0xf7: {  	[tilespmem:s28], [sflag:$0x1] =	stream.indirect_vreg.gather [hbm4b:s1+s4], $0x80, v5, vm0, $0xb8;
	[tilespmem:$0x10580] =	vst v63  }
0xf8: {  	_ =	swait.ge [sflag:s7], $0x8000  }
0xf9: {  	[sflag:s7] =	ssyncset.done $0x0  }
0xfa: {  	[sflag:s7] =	ssyncadd.s32 $0xFFFF8000  }
0xfb: {  	_ =	swait.ge [sflag:s7], $0x8000  }
0xfc: {  	[sflag:s7] =	ssyncset.done $0x0  }
0xfd: {  	s31 =	rddreg [dreg:$0x7];
	[sflag:s7] =	ssyncadd.s32 $0xFFFF8000  }
0xfe: {  	[hbm4b:s31+s4] =	stream.linear.scatter [tilespmem:s12], [sflag:$0x2], $0x10000, $0x38;
	[tilespmem:$0x10580] =	vst v63  }
0xff: {  	_ =	swait.ge [sflag:s10], $0x10000  }
0x100: {  	[sflag:s10] =	ssyncset.done $0x0  }
0x101: {  	[sflag:s10] =	ssyncadd.s32 $0xFFFF0000  }
0x102: {  	[tilespmem:$0x10100] =	vst v4  }
0x103: {  	[tilespmem:$0x10110] =	vst v4  }
0x104: {  	[tilespmem:$0x10120] =	vst v4  }
0x105: {  	[tilespmem:$0x10130] =	vst v4  }
0x106: {  	[tilespmem:$0x10140] =	vst v4  }
0x107: {  	[tilespmem:$0x10150] =	vst v4  }
0x108: {  	[tilespmem:$0x10160] =	vst v4  }
0x109: {  	[tilespmem:$0x10170] =	vst v4  }
0x10a: {  	[bflag:$0x0] =	sbarrier.arrive $0xFFFF  }
0x10b: {  	[spmem:s3] =	stream.indirect.scatter.add.f32 [tilespmem:s29], [sflag:$0x2], $0x1, s4, s11, $0xb8;
	[tilespmem:$0x10580] =	vst v63  }
0x10c: {  	_ =	swait.ge [sflag:s10], $0x80  }
0x10d: {  	[sflag:s10] =	ssyncset.done $0x0  }
0x10e: {  	[sflag:s10] =	ssyncadd.s32 $0xFFFFFF80  }
0x10f: {  	[spmem:s3] =	stream.indirect.scatter.add.f32 [tilespmem:s29], [sflag:$0x2], $0x1, s11, s11, $0xb8;
	[tilespmem:$0x10580] =	vst v63  }
0x110: {  	_ =	swait.ge [sflag:s10], $0x80  }
0x111: {  	[sflag:s10] =	ssyncset.done $0x0  }
0x112: {  	[sflag:s10] =	ssyncadd.s32 $0xFFFFFF80  }
0x113: {  	p0 =	sne.s32 s9, $0x1;
	s0 =	sshrl.u32 s8, $0x3;
	[bflag:$0x0] =	sbarrier.arrive $0xFFFF  }
.Ltmp0:
0x114: {  	s31 =	sor.u32 $0x1C02, s6;
	s2 =	rddreg [dreg:$0x8];
	(pc) =	sbr.rel @p0 .LBB2_1-.Ltmp0, $4  }
0x115: {  	[hbm:s2@s11], [sflag:s31] =	dma.strided [spmem:s0@s30], $0x40, s7, $0x10   }
0x116: {  	_ =	swait.ge [sflag:s10], $0x40  }
0x117: {  	[sflag:s10] =	ssyncset.done $0x0  }
0x118: {  	s9 =	sadd.s32 $0xFFFFFFFF, s9;
	[sflag:s10] =	ssyncadd.s32 $0xFFFFFFC0  }
0x119: {  	_ =	sfence.sel $0x180000  }
0x11a: {  	[bflag:$0x0] =	sbarrier.arrive $0xFFFF  }
0x11b: {  	_ =	strace $0x90000047  }
0x11c: {  	s0 =	stileid.u32;
	[bflag:$0x2] =	sbarrier.arrive $0xFFFF  }
0x11d: {  	p0 =	sne.s32 s0, $0x0;
	s0 =	rddreg [dreg:$0x5]  }
0x11e: {  	s0 =	sadd.s32 @!p0 $0x100000, s0  }
0x11f: {  	[sflag:s0] =	ssyncadd.tile.s32 @!p0 $0x1;
	_ =	shalt  }
.Lfunc_end2:
_tile_overlayer_lowered:
.L_overlay_start_2:
0x120: {  	(tag) =	ssettag $0x2  }
0x121: {  	s0 =	rddreg [dreg:$0x0];
	s2 =	stileid.u32  }
0x122: {  	s1 =	rddreg [dreg:$0x1];
	p0 =	sne.s32 s2, $0x0  }
0x123: {  	s3 =	rddreg [dreg:$0x2];
	[bflag:$0x3] =	sbarrier.arrive $0xFFFF;
	s2 =	simm.s32 @!p0 $0x1C02  }
0x124: {  	[timem:s3], [sflag:s2] =	dma.local @!p0 [hbm:s0], s1  }
0x125: {  	s0 =	simm.s32 @!p0 $0x2  }
0x126: {  	_ =	swait.ge @!p0 [sflag:s0], s1  }
0x127: {  	s1 =	ssub.s32 @!p0 $0x0, s1;
	[sflag:s0] =	ssyncset.done @!p0 $0x0  }
0x128: {  	[sflag:s0] =	ssyncadd.s32 @!p0 s1  }
0x129: {  	[bflag:$0x3] =	sbarrier.arrive $0xFFFF  }
0x12a: {  	_ =	shalt  }

</sc_bundles>
